<compile_context>
chip_gen: v7x
topology: tpu7x:2x2x1
jax: 0.10.2.dev20260603
libtpu: 0.0.44.dev20260713+nightly
codegen_flags: <defaults>
</compile_context>

<pallas_src>
import functools

import jax
import jax.numpy as jnp
from jax import lax
from jax.experimental import pallas as pl
from jax.experimental.pallas import tpu as pltpu
from jax.experimental.pallas import tpu_sc as plsc

_B = 1024
_D = 64
_N = 100000
_K = 20
_KPAD = 128
_NT = 2048
_T = (_N + _NT - 1) // _NT
_NEG = float("-inf")


def _proj_body(ego_ref, wt_ref, bt_ref, zego_ref, qn_ref):
    z = jnp.dot(ego_ref[...], wt_ref[...], preferred_element_type=jnp.float32)
    z = z + bt_ref[...]
    zego_ref[...] = z
    nrm = jnp.sqrt(jnp.sum(z * z, axis=1, keepdims=True))
    qn_ref[...] = z / (nrm + 1e-6)


def _project(ego, W_t, b_t2):
    return pl.pallas_call(
        _proj_body,
        out_shape=(
            jax.ShapeDtypeStruct((_B, _D), jnp.float32),
            jax.ShapeDtypeStruct((_B, _D), jnp.float32),
        ),
    )(ego, W_t, b_t2)


_KS = 32
_NC = 16
_CW = _NT // _NC
_NLAST = _N - (_T - 1) * _NT


def _knn_body(qnT_ref, bank_ref, idx_ref, st_ref, vals_ref, gidx_ref,
              mg_ref, ag_ref, ex_ref, act_ref, iact_ref, flg_ref):
    t = pl.program_id(0)
    ln32 = lax.broadcasted_iota(jnp.int32, (_KS, _B), 0)
    ln16 = lax.broadcasted_iota(jnp.int32, (_NC, _B), 0)
    l128 = lax.broadcasted_iota(jnp.int32, (_CW, _B), 0)
    big = jnp.int32(2**30)

    @pl.when(t == 0)
    def _init():
        vals_ref[...] = jnp.where(ln32 < _K, _NEG, jnp.inf)
        gidx_ref[...] = jnp.zeros((_KS, _B), jnp.int32)

    bk = bank_ref[...]
    nrm = jnp.sqrt(jnp.sum(bk * bk, axis=1, keepdims=True))
    bn = bk / (nrm + 1e-6)
    sT = jnp.dot(bn, qnT_ref[...],
                 preferred_element_type=jnp.float32)

    @pl.when(t < _T - 1)
    def _store_full():
        st_ref[...] = sT

    @pl.when(t == _T - 1)
    def _store_masked():
        rowi = lax.broadcasted_iota(jnp.int32, (_NT, _B), 0)
        st_ref[...] = jnp.where(rowi < _NLAST, sT, _NEG)

    for c in range(_NC):
        sc = st_ref[c * _CW:(c + 1) * _CW, :]
        mgc = jnp.max(sc, axis=0, keepdims=True)
        mg_ref[c:c + 1, :] = mgc
        ag_ref[c:c + 1, :] = jnp.min(jnp.where(sc == mgc, l128, big),
                                     axis=0, keepdims=True)
    bmin0 = jnp.min(vals_ref[...], axis=0, keepdims=True)
    act_ref[0] = jnp.any(mg_ref[...] > bmin0).astype(jnp.int32)

    def _inner(_, carry):
        @pl.when(iact_ref[0] == 1)
        def _extract():
            mgw = mg_ref[...]
            m = jnp.max(mgw, axis=0, keepdims=True)
            c = jnp.min(jnp.where(mgw == m, ln16, big), axis=0, keepdims=True)
            vals = vals_ref[...]
            bmin = jnp.min(vals, axis=0, keepdims=True)
            upd = m > bmin
            bpos = jnp.min(jnp.where(vals == bmin, ln32, big),
                           axis=0, keepdims=True)
            sel = (ln32 == bpos) & upd
            agv = jnp.sum(jnp.where(ln16 == c, ag_ref[...], 0),
                          axis=0, keepdims=True)
            gidx = t * _NT + c * _CW + agv
            vals_ref[...] = jnp.where(sel, m, vals)
            gidx_ref[...] = jnp.where(sel, gidx, gidx_ref[...])
            hit = (ln16 == c) & upd
            mgw2 = jnp.where(hit, _NEG, mgw)
            mg_ref[...] = mgw2
            ex_ref[...] = jnp.where(hit, 1, ex_ref[...])
            m2 = jnp.max(mgw2, axis=0, keepdims=True)
            bmin2 = jnp.min(vals_ref[...], axis=0, keepdims=True)
            iact_ref[0] = jnp.any(m2 > bmin2).astype(jnp.int32)
        return carry

    def _round(_, carry):
        @pl.when(act_ref[0] == 1)
        def _do():
            ex_ref[...] = jnp.zeros((_NC, _B), jnp.int32)
            iact_ref[0] = 1
            lax.fori_loop(0, _K, _inner, 0)
            ex = ex_ref[...]
            ag = ag_ref[...]
            for c in range(_NC):
                flg_ref[c] = jnp.max(ex[c:c + 1, :])

            for c in range(_NC):
                @pl.when(flg_ref[c] == 1)
                def _fix(c=c):
                    sc = st_ref[c * _CW:(c + 1) * _CW, :]
                    kill = (l128 == ag[c:c + 1, :]) & (ex[c:c + 1, :] == 1)
                    sc2 = jnp.where(kill, _NEG, sc)
                    st_ref[c * _CW:(c + 1) * _CW, :] = sc2
                    mgc = jnp.max(sc2, axis=0, keepdims=True)
                    mg_ref[c:c + 1, :] = mgc
                    ag_ref[c:c + 1, :] = jnp.min(
                        jnp.where(sc2 == mgc, l128, big), axis=0, keepdims=True)
            bmin3 = jnp.min(vals_ref[...], axis=0, keepdims=True)
            act_ref[0] = jnp.any(mg_ref[...] > bmin3).astype(jnp.int32)
        return carry

    lax.fori_loop(0, _K, _round, 0)

    @pl.when(t == _T - 1)
    def _emit():
        idx_ref[...] = gidx_ref[...]


def _knn_topk(qnT, bank):
    return pl.pallas_call(
        _knn_body,
        grid=(_T,),
        in_specs=[
            pl.BlockSpec((_D, _B), lambda t: (0, 0)),
            pl.BlockSpec((_NT, _D), lambda t: (t, 0)),
        ],
        out_specs=pl.BlockSpec((_KS, _B), lambda t: (0, 0)),
        out_shape=jax.ShapeDtypeStruct((_KS, _B), jnp.int32),
        scratch_shapes=[
            pltpu.VMEM((_NT, _B), jnp.float32),
            pltpu.VMEM((_KS, _B), jnp.float32),
            pltpu.VMEM((_KS, _B), jnp.int32),
            pltpu.VMEM((_NC, _B), jnp.float32),
            pltpu.VMEM((_NC, _B), jnp.int32),
            pltpu.VMEM((_NC, _B), jnp.int32),
            pltpu.SMEM((1,), jnp.int32),
            pltpu.SMEM((1,), jnp.int32),
            pltpu.SMEM((_NC,), jnp.int32),
        ],
    )(qnT, bank)


_NROWS = _B * _K
_NW = 32
_RPW = _NROWS // _NW


def _sc_gather(idx_flat, table):
    mesh = plsc.VectorSubcoreMesh(core_axis_name="c", subcore_axis_name="s")

    @functools.partial(
        pl.kernel,
        mesh=mesh,
        out_type=jax.ShapeDtypeStruct((_NROWS, _D), jnp.float32),
        scratch_types=[
            pltpu.VMEM((_RPW,), jnp.int32),
            pltpu.VMEM((_RPW, _D), jnp.float32),
            pltpu.SemaphoreType.DMA,
        ],
        compiler_params=pltpu.CompilerParams(use_tc_tiling_on_sc=False),
    )
    def _gk(idx_hbm, table_hbm, out_hbm, idx_v, rows_v, sem):
        wid = lax.axis_index("s") * 2 + lax.axis_index("c")
        base = wid * _RPW
        pltpu.sync_copy(idx_hbm.at[pl.ds(base, _RPW)], idx_v)
        pltpu.async_copy(table_hbm.at[idx_v], rows_v, sem).wait()
        pltpu.sync_copy(rows_v, out_hbm.at[pl.ds(base, _RPW)])

    return _gk(idx_flat, table)


_BS = 256


def _attn_body(zego_ref, zexo_ref, wq_ref, wk_ref, wv_ref, wo_ref,
               wcv_ref, bcv_ref, wcn_ref, bcn_ref, mask_ref,
               z_ref, verb_ref, noun_ref):
    z_e = zego_ref[...]
    ze2 = zexo_ref[...]
    q = jnp.dot(z_e, wq_ref[...], preferred_element_type=jnp.float32)
    kk = jnp.dot(ze2, wk_ref[...], preferred_element_type=jnp.float32)
    vv = jnp.dot(ze2, wv_ref[...], preferred_element_type=jnp.float32)
    kk3 = kk.reshape(_BS, _K, _D)
    l = jnp.sum(q[:, None, :] * kk3, axis=2) * (1.0 / 8.0)
    l = l + mask_ref[...]
    l = l - jnp.max(l, axis=1, keepdims=True)
    p = jnp.exp(l)
    p = p / jnp.sum(p, axis=1, keepdims=True)
    vv3 = vv.reshape(_BS, _K, _D)
    ctx = jnp.sum(p[:, :, None] * vv3, axis=1)
    z = z_e + jnp.dot(ctx, wo_ref[...], preferred_element_type=jnp.float32)
    z_ref[...] = z
    verb_ref[...] = jnp.dot(z, wcv_ref[...],
                            preferred_element_type=jnp.float32) + bcv_ref[...]
    noun_ref[...] = jnp.dot(z, wcn_ref[...],
                            preferred_element_type=jnp.float32) + bcn_ref[...]


def _attn_heads(zego, zexo_flat, W_q, W_k, W_v, W_o, W_cv, b_cv2, W_cn,
                b_cn2, maskadd):
    nv = W_cv.shape[1]
    nn = W_cn.shape[1]
    grid = (_B // _BS,)
    wspec = pl.BlockSpec((_D, _D), lambda i: (0, 0))
    return pl.pallas_call(
        _attn_body,
        grid=grid,
        in_specs=[
            pl.BlockSpec((_BS, _D), lambda i: (i, 0)),
            pl.BlockSpec((_BS * _K, _D), lambda i: (i, 0)),
            wspec, wspec, wspec, wspec,
            pl.BlockSpec((_D, nv), lambda i: (0, 0)),
            pl.BlockSpec((1, nv), lambda i: (0, 0)),
            pl.BlockSpec((_D, nn), lambda i: (0, 0)),
            pl.BlockSpec((1, nn), lambda i: (0, 0)),
            pl.BlockSpec((1, _K), lambda i: (0, 0)),
        ],
        out_specs=(
            pl.BlockSpec((_BS, _D), lambda i: (i, 0)),
            pl.BlockSpec((_BS, nv), lambda i: (i, 0)),
            pl.BlockSpec((_BS, nn), lambda i: (i, 0)),
        ),
        out_shape=(
            jax.ShapeDtypeStruct((_B, _D), jnp.float32),
            jax.ShapeDtypeStruct((_B, nv), jnp.float32),
            jax.ShapeDtypeStruct((_B, nn), jnp.float32),
        ),
    )(zego, zexo_flat, W_q, W_k, W_v, W_o, W_cv, b_cv2, W_cn, b_cn2, maskadd)


def kernel(ego_input, exo_bank, W_t, b_t, W_q, W_k, W_v, W_o, W_cv, b_cv,
           W_cn, b_cn, k, k_active):
    zego, qn = _project(ego_input, W_t, b_t.reshape(1, _D))
    idx_pad = _knn_topk(qn.T, exo_bank)
    idx_flat = idx_pad[:_K, :].T.reshape(_NROWS)
    zexo_flat = _sc_gather(idx_flat, exo_bank)
    maskadd = jnp.where(jnp.arange(_K)[None, :] < k_active,
                        0.0, -1e9).astype(jnp.float32)
    z, verb, noun = _attn_heads(zego, zexo_flat, W_q, W_k, W_v, W_o,
                                W_cv, b_cv.reshape(1, -1),
                                W_cn, b_cn.reshape(1, -1), maskadd)
    return (z, verb, noun)

# --- scband reference (transcript-rebuilt; emitter-appended) ---
"""Pipeline reference for scband-rear-86526411145406 (READ-ONLY COPY).

The authoritative reference and input builder live on the scoring server;
editing this copy changes nothing except your own understanding.
"""

import jax, jax.numpy as jnp
import numpy as np

B, IN_DIM, D_MODEL = 1024, 1024, 64
N_BANK = 100000
NUM_VERBS, NUM_NOUNS = 97, 300
K = 20


def setup_inputs(seed: int = 0) -> dict:
    key = jax.random.key(seed)
    ks = jax.random.split(key, 12)
    s = 0.02
    return {
        "ego_input": jax.random.normal(ks[0], (B, IN_DIM), dtype=jnp.float32),
        "exo_bank": jax.random.normal(ks[1], (N_BANK, D_MODEL), dtype=jnp.float32),
        "W_t": jax.random.normal(ks[2], (IN_DIM, D_MODEL), dtype=jnp.float32) * s,
        "b_t": jnp.zeros((D_MODEL,), dtype=jnp.float32),
        "W_q": jax.random.normal(ks[3], (D_MODEL, D_MODEL), dtype=jnp.float32) * s,
        "W_k": jax.random.normal(ks[4], (D_MODEL, D_MODEL), dtype=jnp.float32) * s,
        "W_v": jax.random.normal(ks[5], (D_MODEL, D_MODEL), dtype=jnp.float32) * s,
        "W_o": jax.random.normal(ks[6], (D_MODEL, D_MODEL), dtype=jnp.float32) * s,
        "W_cv": jax.random.normal(ks[7], (D_MODEL, NUM_VERBS), dtype=jnp.float32) * s,
        "b_cv": jnp.zeros((NUM_VERBS,), dtype=jnp.float32),
        "W_cn": jax.random.normal(ks[8], (D_MODEL, NUM_NOUNS), dtype=jnp.float32) * s,
        "b_cn": jnp.zeros((NUM_NOUNS,), dtype=jnp.float32),
        "k": K,
        "k_active": K,
    }


def reference(ego_input, exo_bank, W_t, b_t, W_q, W_k, W_v, W_o, W_cv, b_cv, W_cn, b_cn, k, k_active):
    # TargetBranch: project pooled ego clip into shared d_model space
    z_ego = ego_input @ W_t + b_t  # [B, D]

    # RetrievalBranch: cosine-similarity kNN over the exo bank, gather top-k neighbors
    q_n = z_ego / (jnp.linalg.norm(z_ego, axis=-1, keepdims=True) + 1e-6)
    bank_n = exo_bank / (jnp.linalg.norm(exo_bank, axis=-1, keepdims=True) + 1e-6)
    sim = q_n @ bank_n.T  # [B, N]
    _, idx = jax.lax.top_k(sim, K)  # [B, K]
    idx = idx + (k - k)
    z_exo = jnp.take(exo_bank, idx, axis=0)  # [B, K, D] gather

    # CrossViewIntegrationModule: single-head cross attention ego -> retrieved exo set
    d = z_ego.shape[-1]
    q = z_ego @ W_q  # [B, D]
    kk = z_exo @ W_k  # [B, K, D]
    vv = z_exo @ W_v  # [B, K, D]
    logits = jnp.einsum("bd,bkd->bk", q, kk) / jnp.sqrt(jnp.float32(d))
    mask = jnp.arange(z_exo.shape[1]) < k_active
    logits = jnp.where(mask[None, :], logits, jnp.float32(-1e9))
    attn = jax.nn.softmax(logits, axis=-1)
    ctx = jnp.einsum("bk,bkd->bd", attn, vv)
    z = z_ego + ctx @ W_o  # [B, D]

    verb_logits = z @ W_cv + b_cv
    noun_logits = z @ W_cn + b_cn
    return (z, verb_logits, noun_logits)

if __name__ == "__main__":
    import jax
    _d = setup_inputs()
    print(jax.jit(kernel)(*tuple(_d.values())))

</pallas_src>

<mosaic_0001>
#map = affine_map<(d0, d1) -> (0)>
#map1 = affine_map<(d0, d1) -> (0, 0)>
module attributes {stable_mosaic.version = 14 : i64} {
  func.func @_gk(%arg0: i32, %arg1: i32, %arg2: memref<20480xi32, #tpu.memory_space<hbm>>, %arg3: memref<100000x64xf32, #tpu.memory_space<hbm>>, %arg4: memref<20480x64xf32, #tpu.memory_space<hbm>>, %arg5: memref<640xi32, #tpu.memory_space<vmem>>, %arg6: memref<640x64xf32, #tpu.memory_space<vmem>>, %arg7: memref<!tpu.dma_semaphore, #tpu.memory_space<semaphore_mem>>) attributes {dimension_semantics = [#tpu.dimension_semantics<core_parallel>, #tpu.dimension_semantics<subcore_parallel>], iteration_bounds = array<i64: 2, 16>, scalar_prefetch = 0 : i64, scratch_operands = 3 : i64, tpu.core_type = #tpu.core_type<sc_vector_subcore>, window_params = [{transform_indices = #map}, {transform_indices = #map1}, {transform_indices = #map1}]} {
    %mul3A = arith.constant 2 : i32
    %mul3A_0 = arith.muli %arg1, %mul3A : i32
    %add3A = arith.addi %mul3A_0, %arg0 : i32
    %mul3A_1 = arith.constant 640 : i32
    %mul3A_2 = arith.muli %add3A, %mul3A_1 : i32
    "tpu.region"() ({
      %run_scoped3A = tpu.sem_alloc : memref<!tpu.dma_semaphore, #tpu.memory_space<semaphore_mem>>
      %dma_start3A_7 = tpu.memref_slice %arg2[%mul3A_2] : memref<20480xi32, #tpu.memory_space<hbm>> -> memref<640xi32, #tpu.memory_space<hbm>>
      %dma_start3A_8 = tpu.memref_slice %arg2[%mul3A_2] : memref<20480xi32, #tpu.memory_space<hbm>> -> memref<640xi32, #tpu.memory_space<hbm>>
      tpu.enqueue_dma source(%dma_start3A_8 : memref<640xi32, #tpu.memory_space<hbm>>) target(%arg5 : memref<640xi32, #tpu.memory_space<vmem>>) target_semaphore(%run_scoped3A : memref<!tpu.dma_semaphore, #tpu.memory_space<semaphore_mem>>)
      %dma_wait3A_9 = tpu.memref_slice %arg2[%mul3A_2] : memref<20480xi32, #tpu.memory_space<hbm>> -> memref<640xi32, #tpu.memory_space<hbm>>
      %dma_wait3A_10 = tpu.memref_slice %arg2[%mul3A_2] : memref<20480xi32, #tpu.memory_space<hbm>> -> memref<640xi32, #tpu.memory_space<hbm>>
      tpu.wait_dma2 semaphore(%run_scoped3A : memref<!tpu.dma_semaphore, #tpu.memory_space<semaphore_mem>>) src(%dma_wait3A_10 : memref<640xi32, #tpu.memory_space<hbm>>) dst(%arg5 : memref<640xi32, #tpu.memory_space<vmem>>)
      tpu.yield
    }) : () -> ()
    %dma_start3A = arith.constant 0 : i32
    %dma_start3A_3 = arith.constant 0 : i32
    %dma_start3A_4 = tpu.memref_slice %arg3[%dma_start3A, %dma_start3A_3] : memref<100000x64xf32, #tpu.memory_space<hbm>> -> memref<100000x64xf32, #tpu.memory_space<hbm>>
    tpu.enqueue_indirect_dma source(%dma_start3A_4 : memref<100000x64xf32, #tpu.memory_space<hbm>>) target(%arg6 : memref<640x64xf32, #tpu.memory_space<vmem>>) offsets(%arg5 : memref<640xi32, #tpu.memory_space<vmem>>) semaphore(%arg7 : memref<!tpu.dma_semaphore, #tpu.memory_space<semaphore_mem>>)
    %dma_wait3A = arith.constant 0 : i32
    %dma_wait3A_5 = arith.constant 0 : i32
    %dma_wait3A_6 = tpu.memref_slice %arg3[%dma_wait3A, %dma_wait3A_5] : memref<100000x64xf32, #tpu.memory_space<hbm>> -> memref<100000x64xf32, #tpu.memory_space<hbm>>
    tpu.wait_indirect_dma semaphore(%arg7 : memref<!tpu.dma_semaphore, #tpu.memory_space<semaphore_mem>>) src(%dma_wait3A_6 : memref<100000x64xf32, #tpu.memory_space<hbm>>) dst(%arg6 : memref<640x64xf32, #tpu.memory_space<vmem>>)
    "tpu.region"() ({
      %run_scoped3A = tpu.sem_alloc : memref<!tpu.dma_semaphore, #tpu.memory_space<semaphore_mem>>
      %dma_start3A_7 = arith.constant 0 : i32
      %dma_start3A_8 = tpu.memref_slice %arg4[%mul3A_2, %dma_start3A_7] : memref<20480x64xf32, #tpu.memory_space<hbm>> -> memref<640x64xf32, #tpu.memory_space<hbm>>
      %dma_start3A_9 = arith.constant 0 : i32
      %dma_start3A_10 = tpu.memref_slice %arg4[%mul3A_2, %dma_start3A_9] : memref<20480x64xf32, #tpu.memory_space<hbm>> -> memref<640x64xf32, #tpu.memory_space<hbm>>
      tpu.enqueue_dma source(%arg6 : memref<640x64xf32, #tpu.memory_space<vmem>>) target(%dma_start3A_10 : memref<640x64xf32, #tpu.memory_space<hbm>>) target_semaphore(%run_scoped3A : memref<!tpu.dma_semaphore, #tpu.memory_space<semaphore_mem>>)
      %dma_wait3A_11 = arith.constant 0 : i32
      %dma_wait3A_12 = tpu.memref_slice %arg4[%mul3A_2, %dma_wait3A_11] : memref<20480x64xf32, #tpu.memory_space<hbm>> -> memref<640x64xf32, #tpu.memory_space<hbm>>
      %dma_wait3A_13 = arith.constant 0 : i32
      %dma_wait3A_14 = tpu.memref_slice %arg4[%mul3A_2, %dma_wait3A_13] : memref<20480x64xf32, #tpu.memory_space<hbm>> -> memref<640x64xf32, #tpu.memory_space<hbm>>
      tpu.wait_dma2 semaphore(%run_scoped3A : memref<!tpu.dma_semaphore, #tpu.memory_space<semaphore_mem>>) src(%arg6 : memref<640x64xf32, #tpu.memory_space<vmem>>) dst(%dma_wait3A_14 : memref<640x64xf32, #tpu.memory_space<hbm>>)
      tpu.yield
    }) : () -> ()
    return
  }
}

module attributes {stable_mosaic.version = 14 : i64} {
  func.func @_proj_body(%arg0: memref<1024x1024xf32, #tpu.memory_space<vmem>>, %arg1: memref<1024x64xf32, #tpu.memory_space<vmem>>, %arg2: memref<1x64xf32, #tpu.memory_space<vmem>>, %arg3: memref<1024x64xf32, #tpu.memory_space<vmem>>, %arg4: memref<1024x64xf32, #tpu.memory_space<vmem>>) attributes {dimension_semantics = [], scalar_prefetch = 0 : i64, scratch_operands = 0 : i64, tpu.core_type = #tpu.core_type<tc>} {
    %get3A = arith.constant 0 : index
    %get3A_0 = arith.constant 0 : index
    %get3A_1 = vector.load %arg0[%get3A, %get3A_0] : memref<1024x1024xf32, #tpu.memory_space<vmem>>, vector<1024x1024xf32>
    %get3A_2 = arith.constant 0 : index
    %get3A_3 = arith.constant 0 : index
    %get3A_4 = vector.load %arg1[%get3A_2, %get3A_3] : memref<1024x64xf32, #tpu.memory_space<vmem>>, vector<1024x64xf32>
    %dot_general3A = arith.constant dense<0.000000e+00> : vector<1024x64xf32>
    %dot_general3A_5 = tpu.matmul %get3A_1, %get3A_4, %dot_general3A {dimension_numbers = #tpu.dot_dimension_numbers<[1], [0], [0], [1], [0, 0, 1, 1], [], []>, transpose_lhs_hint = false} : vector<1024x1024xf32>, vector<1024x64xf32>, vector<1024x64xf32> -> vector<1024x64xf32>
    %get3A_6 = arith.constant 0 : index
    %get3A_7 = arith.constant 0 : index
    %get3A_8 = vector.load %arg2[%get3A_6, %get3A_7] : memref<1x64xf32, #tpu.memory_space<vmem>>, vector<1x64xf32>
    %add3A = vector.broadcast %get3A_8 : vector<1x64xf32> to vector<1024x64xf32>
    %add3A_9 = arith.addf %dot_general3A_5, %add3A : vector<1024x64xf32>
    %swap3A = arith.constant 0 : index
    %swap3A_10 = arith.constant 0 : index
    %swap3A_11 = vector.load %arg3[%swap3A, %swap3A_10] : memref<1024x64xf32, #tpu.memory_space<vmem>>, vector<1024x64xf32>
    tpu.vector_store %arg3[%swap3A, %swap3A_10], %add3A_9 {strides = array<i32>} : memref<1024x64xf32, #tpu.memory_space<vmem>>, vector<1024x64xf32>,
    %mul3A = arith.mulf %add3A_9, %add3A_9 : vector<1024x64xf32>
    %reduce_sum3A = arith.constant dense<0.000000e+00> : vector<1024xf32>
    %reduce_sum3A_12 = vector.multi_reduction <add>, %mul3A, %reduce_sum3A [1] : vector<1024x64xf32> to vector<1024xf32>
    %broadcast_in_dim3A = vector.shape_cast %reduce_sum3A_12 : vector<1024xf32> to vector<1024x1xf32>
    %sqrt3A = math.sqrt %broadcast_in_dim3A : vector<1024x1xf32>
    %add3A_13 = arith.constant 9.99999997E-7 : f32
    %add3A_14 = vector.broadcast %add3A_13 : f32 to vector<1024x1xf32>
    %add3A_15 = arith.addf %sqrt3A, %add3A_14 : vector<1024x1xf32>
    %div3A = vector.broadcast %add3A_15 : vector<1024x1xf32> to vector<1024x64xf32>
    %div3A_16 = arith.divf %add3A_9, %div3A : vector<1024x64xf32>
    %swap3A_17 = arith.constant 0 : index
    %swap3A_18 = arith.constant 0 : index
    %swap3A_19 = vector.load %arg4[%swap3A_17, %swap3A_18] : memref<1024x64xf32, #tpu.memory_space<vmem>>, vector<1024x64xf32>
    tpu.vector_store %arg4[%swap3A_17, %swap3A_18], %div3A_16 {strides = array<i32>} : memref<1024x64xf32, #tpu.memory_space<vmem>>, vector<1024x64xf32>,
    return
  }
}

module attributes {stable_mosaic.version = 14 : i64} {
  func.func @_knn_body(%arg0: i32, %arg1: memref<64x1024xf32, #tpu.memory_space<vmem>>, %arg2: memref<2048x64xf32, #tpu.memory_space<vmem>>, %arg3: memref<32x1024xi32, #tpu.memory_space<vmem>>, %arg4: memref<2048x1024xf32, #tpu.memory_space<vmem>>, %arg5: memref<32x1024xf32, #tpu.memory_space<vmem>>, %arg6: memref<32x1024xi32, #tpu.memory_space<vmem>>, %arg7: memref<16x1024xf32, #tpu.memory_space<vmem>>, %arg8: memref<16x1024xi32, #tpu.memory_space<vmem>>, %arg9: memref<16x1024xi32, #tpu.memory_space<vmem>>, %arg10: memref<1xi32, #tpu.memory_space<smem>>, %arg11: memref<1xi32, #tpu.memory_space<smem>>, %arg12: memref<16xi32, #tpu.memory_space<smem>>) attributes {dimension_semantics = [#tpu.dimension_semantics<arbitrary>], iteration_bounds = array<i64: 49>, scalar_prefetch = 0 : i64, scratch_operands = 9 : i64, tpu.core_type = #tpu.core_type<tc>, window_params = [{pipeline_mode = #tpu.pipeline_mode<synchronous>, transform_indices = @transform_0, window_bounds = array<i64: 64, 1024>}, {transform_indices = @transform_1, window_bounds = array<i64: 2048, 64>}, {pipeline_mode = #tpu.pipeline_mode<synchronous>, transform_indices = @transform_2, window_bounds = array<i64: 32, 1024>}]} {
    %iota3A = tpu.iota {dimensions = array<i32: 0>} : vector<32x1024xi32>
    %iota3A_0 = tpu.iota {dimensions = array<i32: 0>} : vector<16x1024xi32>
    %iota3A_1 = tpu.iota {dimensions = array<i32: 0>} : vector<128x1024xi32>
    %eq3A = arith.constant 0 : i32
    %eq3A_2 = arith.cmpi eq, %arg0, %eq3A : i32
    %convert_element_type3A = arith.extui %eq3A_2 : i1 to i32
    %cond3A = arith.constant 0 : i32
    %cond3A_3 = arith.cmpi ne, %convert_element_type3A, %cond3A : i32
    scf.if %cond3A_3 {
      %lt3A_371 = arith.constant 20 : i32
      %lt3A_372 = vector.broadcast %lt3A_371 : i32 to vector<32x1024xi32>
      %lt3A_373 = arith.cmpi slt, %iota3A, %lt3A_372 : vector<32x1024xi32>
      %jit3A_374 = arith.constant 0xFF800000 : f32
      %jit3A_375 = arith.constant 0x7F800000 : f32
      %broadcast_in_dim3A_376 = vector.broadcast %jit3A_374 : f32 to vector<32x1024xf32>
      %broadcast_in_dim3A_377 = vector.broadcast %jit3A_375 : f32 to vector<32x1024xf32>
      %select_n3A_378 = arith.select %lt3A_373, %broadcast_in_dim3A_376, %broadcast_in_dim3A_377 : vector<32x1024xi1>, vector<32x1024xf32>
      %swap3A_379 = arith.constant 0 : index
      %swap3A_380 = arith.constant 0 : index
      %swap3A_381 = vector.load %arg5[%swap3A_379, %swap3A_380] : memref<32x1024xf32, #tpu.memory_space<vmem>>, vector<32x1024xf32>
      tpu.vector_store %arg5[%swap3A_379, %swap3A_380], %select_n3A_378 {strides = array<i32>} : memref<32x1024xf32, #tpu.memory_space<vmem>>, vector<32x1024xf32>,
      %broadcast_in_dim3A_382 = arith.constant 0 : i32
      %broadcast_in_dim3A_383 = vector.broadcast %broadcast_in_dim3A_382 : i32 to vector<32x1024xi32>
      %swap3A_384 = arith.constant 0 : index
      %swap3A_385 = arith.constant 0 : index
      %swap3A_386 = vector.load %arg6[%swap3A_384, %swap3A_385] : memref<32x1024xi32, #tpu.memory_space<vmem>>, vector<32x1024xi32>
      tpu.vector_store %arg6[%swap3A_384, %swap3A_385], %broadcast_in_dim3A_383 {strides = array<i32>} : memref<32x1024xi32, #tpu.memory_space<vmem>>, vector<32x1024xi32>,
    } else {
    }
    %get3A = arith.constant 0 : index
    %get3A_4 = arith.constant 0 : index
    %get3A_5 = vector.load %arg2[%get3A, %get3A_4] : memref<2048x64xf32, #tpu.memory_space<vmem>>, vector<2048x64xf32>
    %mul3A = arith.mulf %get3A_5, %get3A_5 : vector<2048x64xf32>
    %reduce_sum3A = arith.constant dense<0.000000e+00> : vector<2048xf32>
    %reduce_sum3A_6 = vector.multi_reduction <add>, %mul3A, %reduce_sum3A [1] : vector<2048x64xf32> to vector<2048xf32>
    %broadcast_in_dim3A = vector.shape_cast %reduce_sum3A_6 : vector<2048xf32> to vector<2048x1xf32>
    %sqrt3A = math.sqrt %broadcast_in_dim3A : vector<2048x1xf32>
    %add3A = arith.constant 9.99999997E-7 : f32
    %add3A_7 = vector.broadcast %add3A : f32 to vector<2048x1xf32>
    %add3A_8 = arith.addf %sqrt3A, %add3A_7 : vector<2048x1xf32>
    %div3A = vector.broadcast %add3A_8 : vector<2048x1xf32> to vector<2048x64xf32>
    %div3A_9 = arith.divf %get3A_5, %div3A : vector<2048x64xf32>
    %get3A_10 = arith.constant 0 : index
    %get3A_11 = arith.constant 0 : index
    %get3A_12 = vector.load %arg1[%get3A_10, %get3A_11] : memref<64x1024xf32, #tpu.memory_space<vmem>>, vector<64x1024xf32>
    %dot_general3A = arith.constant dense<0.000000e+00> : vector<2048x1024xf32>
    %dot_general3A_13 = tpu.matmul %div3A_9, %get3A_12, %dot_general3A {dimension_numbers = #tpu.dot_dimension_numbers<[1], [0], [0], [1], [0, 0, 1, 1], [], []>, transpose_lhs_hint = false} : vector<2048x64xf32>, vector<64x1024xf32>, vector<2048x1024xf32> -> vector<2048x1024xf32>
    %lt3A = arith.constant 48 : i32
    %lt3A_14 = arith.cmpi slt, %arg0, %lt3A : i32
    %convert_element_type3A_15 = arith.extui %lt3A_14 : i1 to i32
    %cond3A_16 = arith.constant 0 : i32
    %cond3A_17 = arith.cmpi ne, %convert_element_type3A_15, %cond3A_16 : i32
    scf.if %cond3A_17 {
      %swap3A_371 = arith.constant 0 : index
      %swap3A_372 = arith.constant 0 : index
      %swap3A_373 = vector.load %arg4[%swap3A_371, %swap3A_372] : memref<2048x1024xf32, #tpu.memory_space<vmem>>, vector<2048x1024xf32>
      tpu.vector_store %arg4[%swap3A_371, %swap3A_372], %dot_general3A_13 {strides = array<i32>} : memref<2048x1024xf32, #tpu.memory_space<vmem>>, vector<2048x1024xf32>,
    } else {
    }
    %eq3A_18 = arith.constant 48 : i32
    %eq3A_19 = arith.cmpi eq, %arg0, %eq3A_18 : i32
    %convert_element_type3A_20 = arith.extui %eq3A_19 : i1 to i32
    %cond3A_21 = arith.constant 0 : i32
    %cond3A_22 = arith.cmpi ne, %convert_element_type3A_20, %cond3A_21 : i32
    scf.if %cond3A_22 {
      %iota3A_371 = tpu.iota {dimensions = array<i32: 0>} : vector<2048x1024xi32>
      %lt3A_372 = arith.constant 1696 : i32
      %lt3A_373 = vector.broadcast %lt3A_372 : i32 to vector<2048x1024xi32>
      %lt3A_374 = arith.cmpi slt, %iota3A_371, %lt3A_373 : vector<2048x1024xi32>
      %jit3A_375 = arith.constant 0xFF800000 : f32
      %broadcast_in_dim3A_376 = vector.broadcast %jit3A_375 : f32 to vector<2048x1024xf32>
      %select_n3A_377 = arith.select %lt3A_374, %dot_general3A_13, %broadcast_in_dim3A_376 : vector<2048x1024xi1>, vector<2048x1024xf32>
      %swap3A_378 = arith.constant 0 : index
      %swap3A_379 = arith.constant 0 : index
      %swap3A_380 = vector.load %arg4[%swap3A_378, %swap3A_379] : memref<2048x1024xf32, #tpu.memory_space<vmem>>, vector<2048x1024xf32>
      tpu.vector_store %arg4[%swap3A_378, %swap3A_379], %select_n3A_377 {strides = array<i32>} : memref<2048x1024xf32, #tpu.memory_space<vmem>>, vector<2048x1024xf32>,
    } else {
    }
    %get3A_23 = arith.constant 0 : index
    %get3A_24 = arith.constant 0 : index
    %get3A_25 = vector.load %arg4[%get3A_23, %get3A_24] : memref<2048x1024xf32, #tpu.memory_space<vmem>>, vector<128x1024xf32>
    %reduce_max3A = arith.constant dense<0xFF800000> : vector<1024xf32>
    %reduce_max3A_26 = vector.multi_reduction <maximumf>, %get3A_25, %reduce_max3A [0] : vector<128x1024xf32> to vector<1024xf32>
    %broadcast_in_dim3A_27 = vector.shape_cast %reduce_max3A_26 : vector<1024xf32> to vector<1x1024xf32>
    %swap3A = arith.constant 0 : index
    %swap3A_28 = arith.constant 0 : index
    %swap3A_29 = vector.load %arg7[%swap3A, %swap3A_28] : memref<16x1024xf32, #tpu.memory_space<vmem>>, vector<1x1024xf32>
    tpu.vector_store %arg7[%swap3A, %swap3A_28], %broadcast_in_dim3A_27 {strides = array<i32>} : memref<16x1024xf32, #tpu.memory_space<vmem>>, vector<1x1024xf32>,
    %eq3A_30 = vector.broadcast %broadcast_in_dim3A_27 : vector<1x1024xf32> to vector<128x1024xf32>
    %eq3A_31 = arith.cmpf oeq, %get3A_25, %eq3A_30 : vector<128x1024xf32>
    %jit3A = arith.constant 1073741824 : i32
    %broadcast_in_dim3A_32 = vector.broadcast %jit3A : i32 to vector<128x1024xi32>
    %select_n3A = arith.select %eq3A_31, %iota3A_1, %broadcast_in_dim3A_32 : vector<128x1024xi1>, vector<128x1024xi32>
    %reduce_min3A = arith.constant dense<2147483647> : vector<1024xi32>
    %reduce_min3A_33 = vector.multi_reduction <minsi>, %select_n3A, %reduce_min3A [0] : vector<128x1024xi32> to vector<1024xi32>
    %broadcast_in_dim3A_34 = vector.shape_cast %reduce_min3A_33 : vector<1024xi32> to vector<1x1024xi32>
    %swap3A_35 = arith.constant 0 : index
    %swap3A_36 = arith.constant 0 : index
    %swap3A_37 = vector.load %arg8[%swap3A_35, %swap3A_36] : memref<16x1024xi32, #tpu.memory_space<vmem>>, vector<1x1024xi32>
    tpu.vector_store %arg8[%swap3A_35, %swap3A_36], %broadcast_in_dim3A_34 {strides = array<i32>} : memref<16x1024xi32, #tpu.memory_space<vmem>>, vector<1x1024xi32>,
    %get3A_38 = arith.constant 128 : index
    %get3A_39 = arith.constant 0 : index
    %get3A_40 = vector.load %arg4[%get3A_38, %get3A_39] : memref<2048x1024xf32, #tpu.memory_space<vmem>>, vector<128x1024xf32>
    %reduce_max3A_41 = arith.constant dense<0xFF800000> : vector<1024xf32>
    %reduce_max3A_42 = vector.multi_reduction <maximumf>, %get3A_40, %reduce_max3A_41 [0] : vector<128x1024xf32> to vector<1024xf32>
    %broadcast_in_dim3A_43 = vector.shape_cast %reduce_max3A_42 : vector<1024xf32> to vector<1x1024xf32>
    %swap3A_44 = arith.constant 1 : index
    %swap3A_45 = arith.constant 0 : index
    %swap3A_46 = vector.load %arg7[%swap3A_44, %swap3A_45] : memref<16x1024xf32, #tpu.memory_space<vmem>>, vector<1x1024xf32>
    tpu.vector_store %arg7[%swap3A_44, %swap3A_45], %broadcast_in_dim3A_43 {strides = array<i32>} : memref<16x1024xf32, #tpu.memory_space<vmem>>, vector<1x1024xf32>,
    %eq3A_47 = vector.broadcast %broadcast_in_dim3A_43 : vector<1x1024xf32> to vector<128x1024xf32>
    %eq3A_48 = arith.cmpf oeq, %get3A_40, %eq3A_47 : vector<128x1024xf32>
    %jit3A_49 = arith.constant 1073741824 : i32
    %broadcast_in_dim3A_50 = vector.broadcast %jit3A_49 : i32 to vector<128x1024xi32>
    %select_n3A_51 = arith.select %eq3A_48, %iota3A_1, %broadcast_in_dim3A_50 : vector<128x1024xi1>, vector<128x1024xi32>
    %reduce_min3A_52 = arith.constant dense<2147483647> : vector<1024xi32>
    %reduce_min3A_53 = vector.multi_reduction <minsi>, %select_n3A_51, %reduce_min3A_52 [0] : vector<128x1024xi32> to vector<1024xi32>
    %broadcast_in_dim3A_54 = vector.shape_cast %reduce_min3A_53 : vector<1024xi32> to vector<1x1024xi32>
    %swap3A_55 = arith.constant 1 : index
    %swap3A_56 = arith.constant 0 : index
    %swap3A_57 = vector.load %arg8[%swap3A_55, %swap3A_56] : memref<16x1024xi32, #tpu.memory_space<vmem>>, vector<1x1024xi32>
    tpu.vector_store %arg8[%swap3A_55, %swap3A_56], %broadcast_in_dim3A_54 {strides = array<i32>} : memref<16x1024xi32, #tpu.memory_space<vmem>>, vector<1x1024xi32>,
    %get3A_58 = arith.constant 256 : index
    %get3A_59 = arith.constant 0 : index
    %get3A_60 = vector.load %arg4[%get3A_58, %get3A_59] : memref<2048x1024xf32, #tpu.memory_space<vmem>>, vector<128x1024xf32>
    %reduce_max3A_61 = arith.constant dense<0xFF800000> : vector<1024xf32>
    %reduce_max3A_62 = vector.multi_reduction <maximumf>, %get3A_60, %reduce_max3A_61 [0] : vector<128x1024xf32> to vector<1024xf32>
    %broadcast_in_dim3A_63 = vector.shape_cast %reduce_max3A_62 : vector<1024xf32> to vector<1x1024xf32>
    %swap3A_64 = arith.constant 2 : index
    %swap3A_65 = arith.constant 0 : index
    %swap3A_66 = vector.load %arg7[%swap3A_64, %swap3A_65] : memref<16x1024xf32, #tpu.memory_space<vmem>>, vector<1x1024xf32>
    tpu.vector_store %arg7[%swap3A_64, %swap3A_65], %broadcast_in_dim3A_63 {strides = array<i32>} : memref<16x1024xf32, #tpu.memory_space<vmem>>, vector<1x1024xf32>,
    %eq3A_67 = vector.broadcast %broadcast_in_dim3A_63 : vector<1x1024xf32> to vector<128x1024xf32>
    %eq3A_68 = arith.cmpf oeq, %get3A_60, %eq3A_67 : vector<128x1024xf32>
    %jit3A_69 = arith.constant 1073741824 : i32
    %broadcast_in_dim3A_70 = vector.broadcast %jit3A_69 : i32 to vector<128x1024xi32>
    %select_n3A_71 = arith.select %eq3A_68, %iota3A_1, %broadcast_in_dim3A_70 : vector<128x1024xi1>, vector<128x1024xi32>
    %reduce_min3A_72 = arith.constant dense<2147483647> : vector<1024xi32>
    %reduce_min3A_73 = vector.multi_reduction <minsi>, %select_n3A_71, %reduce_min3A_72 [0] : vector<128x1024xi32> to vector<1024xi32>
    %broadcast_in_dim3A_74 = vector.shape_cast %reduce_min3A_73 : vector<1024xi32> to vector<1x1024xi32>
    %swap3A_75 = arith.constant 2 : index
    %swap3A_76 = arith.constant 0 : index
    %swap3A_77 = vector.load %arg8[%swap3A_75, %swap3A_76] : memref<16x1024xi32, #tpu.memory_space<vmem>>, vector<1x1024xi32>
    tpu.vector_store %arg8[%swap3A_75, %swap3A_76], %broadcast_in_dim3A_74 {strides = array<i32>} : memref<16x1024xi32, #tpu.memory_space<vmem>>, vector<1x1024xi32>,
    %get3A_78 = arith.constant 384 : index
    %get3A_79 = arith.constant 0 : index
    %get3A_80 = vector.load %arg4[%get3A_78, %get3A_79] : memref<2048x1024xf32, #tpu.memory_space<vmem>>, vector<128x1024xf32>
    %reduce_max3A_81 = arith.constant dense<0xFF800000> : vector<1024xf32>
    %reduce_max3A_82 = vector.multi_reduction <maximumf>, %get3A_80, %reduce_max3A_81 [0] : vector<128x1024xf32> to vector<1024xf32>
    %broadcast_in_dim3A_83 = vector.shape_cast %reduce_max3A_82 : vector<1024xf32> to vector<1x1024xf32>
    %swap3A_84 = arith.constant 3 : index
    %swap3A_85 = arith.constant 0 : index
    %swap3A_86 = vector.load %arg7[%swap3A_84, %swap3A_85] : memref<16x1024xf32, #tpu.memory_space<vmem>>, vector<1x1024xf32>
    tpu.vector_store %arg7[%swap3A_84, %swap3A_85], %broadcast_in_dim3A_83 {strides = array<i32>} : memref<16x1024xf32, #tpu.memory_space<vmem>>, vector<1x1024xf32>,
    %eq3A_87 = vector.broadcast %broadcast_in_dim3A_83 : vector<1x1024xf32> to vector<128x1024xf32>
    %eq3A_88 = arith.cmpf oeq, %get3A_80, %eq3A_87 : vector<128x1024xf32>
    %jit3A_89 = arith.constant 1073741824 : i32
    %broadcast_in_dim3A_90 = vector.broadcast %jit3A_89 : i32 to vector<128x1024xi32>
    %select_n3A_91 = arith.select %eq3A_88, %iota3A_1, %broadcast_in_dim3A_90 : vector<128x1024xi1>, vector<128x1024xi32>
    %reduce_min3A_92 = arith.constant dense<2147483647> : vector<1024xi32>
    %reduce_min3A_93 = vector.multi_reduction <minsi>, %select_n3A_91, %reduce_min3A_92 [0] : vector<128x1024xi32> to vector<1024xi32>
    %broadcast_in_dim3A_94 = vector.shape_cast %reduce_min3A_93 : vector<1024xi32> to vector<1x1024xi32>
    %swap3A_95 = arith.constant 3 : index
    %swap3A_96 = arith.constant 0 : index
    %swap3A_97 = vector.load %arg8[%swap3A_95, %swap3A_96] : memref<16x1024xi32, #tpu.memory_space<vmem>>, vector<1x1024xi32>
    tpu.vector_store %arg8[%swap3A_95, %swap3A_96], %broadcast_in_dim3A_94 {strides = array<i32>} : memref<16x1024xi32, #tpu.memory_space<vmem>>, vector<1x1024xi32>,
    %get3A_98 = arith.constant 512 : index
    %get3A_99 = arith.constant 0 : index
    %get3A_100 = vector.load %arg4[%get3A_98, %get3A_99] : memref<2048x1024xf32, #tpu.memory_space<vmem>>, vector<128x1024xf32>
    %reduce_max3A_101 = arith.constant dense<0xFF800000> : vector<1024xf32>
    %reduce_max3A_102 = vector.multi_reduction <maximumf>, %get3A_100, %reduce_max3A_101 [0] : vector<128x1024xf32> to vector<1024xf32>
    %broadcast_in_dim3A_103 = vector.shape_cast %reduce_max3A_102 : vector<1024xf32> to vector<1x1024xf32>
    %swap3A_104 = arith.constant 4 : index
    %swap3A_105 = arith.constant 0 : index
    %swap3A_106 = vector.load %arg7[%swap3A_104, %swap3A_105] : memref<16x1024xf32, #tpu.memory_space<vmem>>, vector<1x1024xf32>
    tpu.vector_store %arg7[%swap3A_104, %swap3A_105], %broadcast_in_dim3A_103 {strides = array<i32>} : memref<16x1024xf32, #tpu.memory_space<vmem>>, vector<1x1024xf32>,
    %eq3A_107 = vector.broadcast %broadcast_in_dim3A_103 : vector<1x1024xf32> to vector<128x1024xf32>
    %eq3A_108 = arith.cmpf oeq, %get3A_100, %eq3A_107 : vector<128x1024xf32>
    %jit3A_109 = arith.constant 1073741824 : i32
    %broadcast_in_dim3A_110 = vector.broadcast %jit3A_109 : i32 to vector<128x1024xi32>
    %select_n3A_111 = arith.select %eq3A_108, %iota3A_1, %broadcast_in_dim3A_110 : vector<128x1024xi1>, vector<128x1024xi32>
    %reduce_min3A_112 = arith.constant dense<2147483647> : vector<1024xi32>
    %reduce_min3A_113 = vector.multi_reduction <minsi>, %select_n3A_111, %reduce_min3A_112 [0] : vector<128x1024xi32> to vector<1024xi32>
    %broadcast_in_dim3A_114 = vector.shape_cast %reduce_min3A_113 : vector<1024xi32> to vector<1x1024xi32>
    %swap3A_115 = arith.constant 4 : index
    %swap3A_116 = arith.constant 0 : index
    %swap3A_117 = vector.load %arg8[%swap3A_115, %swap3A_116] : memref<16x1024xi32, #tpu.memory_space<vmem>>, vector<1x1024xi32>
    tpu.vector_store %arg8[%swap3A_115, %swap3A_116], %broadcast_in_dim3A_114 {strides = array<i32>} : memref<16x1024xi32, #tpu.memory_space<vmem>>, vector<1x1024xi32>,
    %get3A_118 = arith.constant 640 : index
    %get3A_119 = arith.constant 0 : index
    %get3A_120 = vector.load %arg4[%get3A_118, %get3A_119] : memref<2048x1024xf32, #tpu.memory_space<vmem>>, vector<128x1024xf32>
    %reduce_max3A_121 = arith.constant dense<0xFF800000> : vector<1024xf32>
    %reduce_max3A_122 = vector.multi_reduction <maximumf>, %get3A_120, %reduce_max3A_121 [0] : vector<128x1024xf32> to vector<1024xf32>
    %broadcast_in_dim3A_123 = vector.shape_cast %reduce_max3A_122 : vector<1024xf32> to vector<1x1024xf32>
    %swap3A_124 = arith.constant 5 : index
    %swap3A_125 = arith.constant 0 : index
    %swap3A_126 = vector.load %arg7[%swap3A_124, %swap3A_125] : memref<16x1024xf32, #tpu.memory_space<vmem>>, vector<1x1024xf32>
    tpu.vector_store %arg7[%swap3A_124, %swap3A_125], %broadcast_in_dim3A_123 {strides = array<i32>} : memref<16x1024xf32, #tpu.memory_space<vmem>>, vector<1x1024xf32>,
    %eq3A_127 = vector.broadcast %broadcast_in_dim3A_123 : vector<1x1024xf32> to vector<128x1024xf32>
    %eq3A_128 = arith.cmpf oeq, %get3A_120, %eq3A_127 : vector<128x1024xf32>
    %jit3A_129 = arith.constant 1073741824 : i32
    %broadcast_in_dim3A_130 = vector.broadcast %jit3A_129 : i32 to vector<128x1024xi32>
    %select_n3A_131 = arith.select %eq3A_128, %iota3A_1, %broadcast_in_dim3A_130 : vector<128x1024xi1>, vector<128x1024xi32>
    %reduce_min3A_132 = arith.constant dense<2147483647> : vector<1024xi32>
    %reduce_min3A_133 = vector.multi_reduction <minsi>, %select_n3A_131, %reduce_min3A_132 [0] : vector<128x1024xi32> to vector<1024xi32>
    %broadcast_in_dim3A_134 = vector.shape_cast %reduce_min3A_133 : vector<1024xi32> to vector<1x1024xi32>
    %swap3A_135 = arith.constant 5 : index
    %swap3A_136 = arith.constant 0 : index
    %swap3A_137 = vector.load %arg8[%swap3A_135, %swap3A_136] : memref<16x1024xi32, #tpu.memory_space<vmem>>, vector<1x1024xi32>
    tpu.vector_store %arg8[%swap3A_135, %swap3A_136], %broadcast_in_dim3A_134 {strides = array<i32>} : memref<16x1024xi32, #tpu.memory_space<vmem>>, vector<1x1024xi32>,
    %get3A_138 = arith.constant 768 : index
    %get3A_139 = arith.constant 0 : index
    %get3A_140 = vector.load %arg4[%get3A_138, %get3A_139] : memref<2048x1024xf32, #tpu.memory_space<vmem>>, vector<128x1024xf32>
    %reduce_max3A_141 = arith.constant dense<0xFF800000> : vector<1024xf32>
    %reduce_max3A_142 = vector.multi_reduction <maximumf>, %get3A_140, %reduce_max3A_141 [0] : vector<128x1024xf32> to vector<1024xf32>
    %broadcast_in_dim3A_143 = vector.shape_cast %reduce_max3A_142 : vector<1024xf32> to vector<1x1024xf32>
    %swap3A_144 = arith.constant 6 : index
    %swap3A_145 = arith.constant 0 : index
    %swap3A_146 = vector.load %arg7[%swap3A_144, %swap3A_145] : memref<16x1024xf32, #tpu.memory_space<vmem>>, vector<1x1024xf32>
    tpu.vector_store %arg7[%swap3A_144, %swap3A_145], %broadcast_in_dim3A_143 {strides = array<i32>} : memref<16x1024xf32, #tpu.memory_space<vmem>>, vector<1x1024xf32>,
    %eq3A_147 = vector.broadcast %broadcast_in_dim3A_143 : vector<1x1024xf32> to vector<128x1024xf32>
    %eq3A_148 = arith.cmpf oeq, %get3A_140, %eq3A_147 : vector<128x1024xf32>
    %jit3A_149 = arith.constant 1073741824 : i32
    %broadcast_in_dim3A_150 = vector.broadcast %jit3A_149 : i32 to vector<128x1024xi32>
    %select_n3A_151 = arith.select %eq3A_148, %iota3A_1, %broadcast_in_dim3A_150 : vector<128x1024xi1>, vector<128x1024xi32>
    %reduce_min3A_152 = arith.constant dense<2147483647> : vector<1024xi32>
    %reduce_min3A_153 = vector.multi_reduction <minsi>, %select_n3A_151, %reduce_min3A_152 [0] : vector<128x1024xi32> to vector<1024xi32>
    %broadcast_in_dim3A_154 = vector.shape_cast %reduce_min3A_153 : vector<1024xi32> to vector<1x1024xi32>
    %swap3A_155 = arith.constant 6 : index
    %swap3A_156 = arith.constant 0 : index
    %swap3A_157 = vector.load %arg8[%swap3A_155, %swap3A_156] : memref<16x1024xi32, #tpu.memory_space<vmem>>, vector<1x1024xi32>
    tpu.vector_store %arg8[%swap3A_155, %swap3A_156], %broadcast_in_dim3A_154 {strides = array<i32>} : memref<16x1024xi32, #tpu.memory_space<vmem>>, vector<1x1024xi32>,
    %get3A_158 = arith.constant 896 : index
    %get3A_159 = arith.constant 0 : index
    %get3A_160 = vector.load %arg4[%get3A_158, %get3A_159] : memref<2048x1024xf32, #tpu.memory_space<vmem>>, vector<128x1024xf32>
    %reduce_max3A_161 = arith.constant dense<0xFF800000> : vector<1024xf32>
    %reduce_max3A_162 = vector.multi_reduction <maximumf>, %get3A_160, %reduce_max3A_161 [0] : vector<128x1024xf32> to vector<1024xf32>
    %broadcast_in_dim3A_163 = vector.shape_cast %reduce_max3A_162 : vector<1024xf32> to vector<1x1024xf32>
    %swap3A_164 = arith.constant 7 : index
    %swap3A_165 = arith.constant 0 : index
    %swap3A_166 = vector.load %arg7[%swap3A_164, %swap3A_165] : memref<16x1024xf32, #tpu.memory_space<vmem>>, vector<1x1024xf32>
    tpu.vector_store %arg7[%swap3A_164, %swap3A_165], %broadcast_in_dim3A_163 {strides = array<i32>} : memref<16x1024xf32, #tpu.memory_space<vmem>>, vector<1x1024xf32>,
    %eq3A_167 = vector.broadcast %broadcast_in_dim3A_163 : vector<1x1024xf32> to vector<128x1024xf32>
    %eq3A_168 = arith.cmpf oeq, %get3A_160, %eq3A_167 : vector<128x1024xf32>
    %jit3A_169 = arith.constant 1073741824 : i32
    %broadcast_in_dim3A_170 = vector.broadcast %jit3A_169 : i32 to vector<128x1024xi32>
    %select_n3A_171 = arith.select %eq3A_168, %iota3A_1, %broadcast_in_dim3A_170 : vector<128x1024xi1>, vector<128x1024xi32>
    %reduce_min3A_172 = arith.constant dense<2147483647> : vector<1024xi32>
    %reduce_min3A_173 = vector.multi_reduction <minsi>, %select_n3A_171, %reduce_min3A_172 [0] : vector<128x1024xi32> to vector<1024xi32>
    %broadcast_in_dim3A_174 = vector.shape_cast %reduce_min3A_173 : vector<1024xi32> to vector<1x1024xi32>
    %swap3A_175 = arith.constant 7 : index
    %swap3A_176 = arith.constant 0 : index
    %swap3A_177 = vector.load %arg8[%swap3A_175, %swap3A_176] : memref<16x1024xi32, #tpu.memory_space<vmem>>, vector<1x1024xi32>
    tpu.vector_store %arg8[%swap3A_175, %swap3A_176], %broadcast_in_dim3A_174 {strides = array<i32>} : memref<16x1024xi32, #tpu.memory_space<vmem>>, vector<1x1024xi32>,
    %get3A_178 = arith.constant 1024 : index
    %get3A_179 = arith.constant 0 : index
    %get3A_180 = vector.load %arg4[%get3A_178, %get3A_179] : memref<2048x1024xf32, #tpu.memory_space<vmem>>, vector<128x1024xf32>
    %reduce_max3A_181 = arith.constant dense<0xFF800000> : vector<1024xf32>
    %reduce_max3A_182 = vector.multi_reduction <maximumf>, %get3A_180, %reduce_max3A_181 [0] : vector<128x1024xf32> to vector<1024xf32>
    %broadcast_in_dim3A_183 = vector.shape_cast %reduce_max3A_182 : vector<1024xf32> to vector<1x1024xf32>
    %swap3A_184 = arith.constant 8 : index
    %swap3A_185 = arith.constant 0 : index
    %swap3A_186 = vector.load %arg7[%swap3A_184, %swap3A_185] : memref<16x1024xf32, #tpu.memory_space<vmem>>, vector<1x1024xf32>
    tpu.vector_store %arg7[%swap3A_184, %swap3A_185], %broadcast_in_dim3A_183 {strides = array<i32>} : memref<16x1024xf32, #tpu.memory_space<vmem>>, vector<1x1024xf32>,
    %eq3A_187 = vector.broadcast %broadcast_in_dim3A_183 : vector<1x1024xf32> to vector<128x1024xf32>
    %eq3A_188 = arith.cmpf oeq, %get3A_180, %eq3A_187 : vector<128x1024xf32>
    %jit3A_189 = arith.constant 1073741824 : i32
    %broadcast_in_dim3A_190 = vector.broadcast %jit3A_189 : i32 to vector<128x1024xi32>
    %select_n3A_191 = arith.select %eq3A_188, %iota3A_1, %broadcast_in_dim3A_190 : vector<128x1024xi1>, vector<128x1024xi32>
    %reduce_min3A_192 = arith.constant dense<2147483647> : vector<1024xi32>
    %reduce_min3A_193 = vector.multi_reduction <minsi>, %select_n3A_191, %reduce_min3A_192 [0] : vector<128x1024xi32> to vector<1024xi32>
    %broadcast_in_dim3A_194 = vector.shape_cast %reduce_min3A_193 : vector<1024xi32> to vector<1x1024xi32>
    %swap3A_195 = arith.constant 8 : index
    %swap3A_196 = arith.constant 0 : index
    %swap3A_197 = vector.load %arg8[%swap3A_195, %swap3A_196] : memref<16x1024xi32, #tpu.memory_space<vmem>>, vector<1x1024xi32>
    tpu.vector_store %arg8[%swap3A_195, %swap3A_196], %broadcast_in_dim3A_194 {strides = array<i32>} : memref<16x1024xi32, #tpu.memory_space<vmem>>, vector<1x1024xi32>,
    %get3A_198 = arith.constant 1152 : index
    %get3A_199 = arith.constant 0 : index
    %get3A_200 = vector.load %arg4[%get3A_198, %get3A_199] : memref<2048x1024xf32, #tpu.memory_space<vmem>>, vector<128x1024xf32>
    %reduce_max3A_201 = arith.constant dense<0xFF800000> : vector<1024xf32>
    %reduce_max3A_202 = vector.multi_reduction <maximumf>, %get3A_200, %reduce_max3A_201 [0] : vector<128x1024xf32> to vector<1024xf32>
    %broadcast_in_dim3A_203 = vector.shape_cast %reduce_max3A_202 : vector<1024xf32> to vector<1x1024xf32>
    %swap3A_204 = arith.constant 9 : index
    %swap3A_205 = arith.constant 0 : index
    %swap3A_206 = vector.load %arg7[%swap3A_204, %swap3A_205] : memref<16x1024xf32, #tpu.memory_space<vmem>>, vector<1x1024xf32>
    tpu.vector_store %arg7[%swap3A_204, %swap3A_205], %broadcast_in_dim3A_203 {strides = array<i32>} : memref<16x1024xf32, #tpu.memory_space<vmem>>, vector<1x1024xf32>,
    %eq3A_207 = vector.broadcast %broadcast_in_dim3A_203 : vector<1x1024xf32> to vector<128x1024xf32>
    %eq3A_208 = arith.cmpf oeq, %get3A_200, %eq3A_207 : vector<128x1024xf32>
    %jit3A_209 = arith.constant 1073741824 : i32
    %broadcast_in_dim3A_210 = vector.broadcast %jit3A_209 : i32 to vector<128x1024xi32>
    %select_n3A_211 = arith.select %eq3A_208, %iota3A_1, %broadcast_in_dim3A_210 : vector<128x1024xi1>, vector<128x1024xi32>
    %reduce_min3A_212 = arith.constant dense<2147483647> : vector<1024xi32>
    %reduce_min3A_213 = vector.multi_reduction <minsi>, %select_n3A_211, %reduce_min3A_212 [0] : vector<128x1024xi32> to vector<1024xi32>
    %broadcast_in_dim3A_214 = vector.shape_cast %reduce_min3A_213 : vector<1024xi32> to vector<1x1024xi32>
    %swap3A_215 = arith.constant 9 : index
    %swap3A_216 = arith.constant 0 : index
    %swap3A_217 = vector.load %arg8[%swap3A_215, %swap3A_216] : memref<16x1024xi32, #tpu.memory_space<vmem>>, vector<1x1024xi32>
    tpu.vector_store %arg8[%swap3A_215, %swap3A_216], %broadcast_in_dim3A_214 {strides = array<i32>} : memref<16x1024xi32, #tpu.memory_space<vmem>>, vector<1x1024xi32>,
    %get3A_218 = arith.constant 1280 : index
    %get3A_219 = arith.constant 0 : index
    %get3A_220 = vector.load %arg4[%get3A_218, %get3A_219] : memref<2048x1024xf32, #tpu.memory_space<vmem>>, vector<128x1024xf32>
    %reduce_max3A_221 = arith.constant dense<0xFF800000> : vector<1024xf32>
    %reduce_max3A_222 = vector.multi_reduction <maximumf>, %get3A_220, %reduce_max3A_221 [0] : vector<128x1024xf32> to vector<1024xf32>
    %broadcast_in_dim3A_223 = vector.shape_cast %reduce_max3A_222 : vector<1024xf32> to vector<1x1024xf32>
    %swap3A_224 = arith.constant 10 : index
    %swap3A_225 = arith.constant 0 : index
    %swap3A_226 = vector.load %arg7[%swap3A_224, %swap3A_225] : memref<16x1024xf32, #tpu.memory_space<vmem>>, vector<1x1024xf32>
    tpu.vector_store %arg7[%swap3A_224, %swap3A_225], %broadcast_in_dim3A_223 {strides = array<i32>} : memref<16x1024xf32, #tpu.memory_space<vmem>>, vector<1x1024xf32>,
    %eq3A_227 = vector.broadcast %broadcast_in_dim3A_223 : vector<1x1024xf32> to vector<128x1024xf32>
    %eq3A_228 = arith.cmpf oeq, %get3A_220, %eq3A_227 : vector<128x1024xf32>
    %jit3A_229 = arith.constant 1073741824 : i32
    %broadcast_in_dim3A_230 = vector.broadcast %jit3A_229 : i32 to vector<128x1024xi32>
    %select_n3A_231 = arith.select %eq3A_228, %iota3A_1, %broadcast_in_dim3A_230 : vector<128x1024xi1>, vector<128x1024xi32>
    %reduce_min3A_232 = arith.constant dense<2147483647> : vector<1024xi32>
    %reduce_min3A_233 = vector.multi_reduction <minsi>, %select_n3A_231, %reduce_min3A_232 [0] : vector<128x1024xi32> to vector<1024xi32>
    %broadcast_in_dim3A_234 = vector.shape_cast %reduce_min3A_233 : vector<1024xi32> to vector<1x1024xi32>
    %swap3A_235 = arith.constant 10 : index
    %swap3A_236 = arith.constant 0 : index
    %swap3A_237 = vector.load %arg8[%swap3A_235, %swap3A_236] : memref<16x1024xi32, #tpu.memory_space<vmem>>, vector<1x1024xi32>
    tpu.vector_store %arg8[%swap3A_235, %swap3A_236], %broadcast_in_dim3A_234 {strides = array<i32>} : memref<16x1024xi32, #tpu.memory_space<vmem>>, vector<1x1024xi32>,
    %get3A_238 = arith.constant 1408 : index
    %get3A_239 = arith.constant 0 : index
    %get3A_240 = vector.load %arg4[%get3A_238, %get3A_239] : memref<2048x1024xf32, #tpu.memory_space<vmem>>, vector<128x1024xf32>
    %reduce_max3A_241 = arith.constant dense<0xFF800000> : vector<1024xf32>
    %reduce_max3A_242 = vector.multi_reduction <maximumf>, %get3A_240, %reduce_max3A_241 [0] : vector<128x1024xf32> to vector<1024xf32>
    %broadcast_in_dim3A_243 = vector.shape_cast %reduce_max3A_242 : vector<1024xf32> to vector<1x1024xf32>
    %swap3A_244 = arith.constant 11 : index
    %swap3A_245 = arith.constant 0 : index
    %swap3A_246 = vector.load %arg7[%swap3A_244, %swap3A_245] : memref<16x1024xf32, #tpu.memory_space<vmem>>, vector<1x1024xf32>
    tpu.vector_store %arg7[%swap3A_244, %swap3A_245], %broadcast_in_dim3A_243 {strides = array<i32>} : memref<16x1024xf32, #tpu.memory_space<vmem>>, vector<1x1024xf32>,
    %eq3A_247 = vector.broadcast %broadcast_in_dim3A_243 : vector<1x1024xf32> to vector<128x1024xf32>
    %eq3A_248 = arith.cmpf oeq, %get3A_240, %eq3A_247 : vector<128x1024xf32>
    %jit3A_249 = arith.constant 1073741824 : i32
    %broadcast_in_dim3A_250 = vector.broadcast %jit3A_249 : i32 to vector<128x1024xi32>
    %select_n3A_251 = arith.select %eq3A_248, %iota3A_1, %broadcast_in_dim3A_250 : vector<128x1024xi1>, vector<128x1024xi32>
    %reduce_min3A_252 = arith.constant dense<2147483647> : vector<1024xi32>
    %reduce_min3A_253 = vector.multi_reduction <minsi>, %select_n3A_251, %reduce_min3A_252 [0] : vector<128x1024xi32> to vector<1024xi32>
    %broadcast_in_dim3A_254 = vector.shape_cast %reduce_min3A_253 : vector<1024xi32> to vector<1x1024xi32>
    %swap3A_255 = arith.constant 11 : index
    %swap3A_256 = arith.constant 0 : index
    %swap3A_257 = vector.load %arg8[%swap3A_255, %swap3A_256] : memref<16x1024xi32, #tpu.memory_space<vmem>>, vector<1x1024xi32>
    tpu.vector_store %arg8[%swap3A_255, %swap3A_256], %broadcast_in_dim3A_254 {strides = array<i32>} : memref<16x1024xi32, #tpu.memory_space<vmem>>, vector<1x1024xi32>,
    %get3A_258 = arith.constant 1536 : index
    %get3A_259 = arith.constant 0 : index
    %get3A_260 = vector.load %arg4[%get3A_258, %get3A_259] : memref<2048x1024xf32, #tpu.memory_space<vmem>>, vector<128x1024xf32>
    %reduce_max3A_261 = arith.constant dense<0xFF800000> : vector<1024xf32>
    %reduce_max3A_262 = vector.multi_reduction <maximumf>, %get3A_260, %reduce_max3A_261 [0] : vector<128x1024xf32> to vector<1024xf32>
    %broadcast_in_dim3A_263 = vector.shape_cast %reduce_max3A_262 : vector<1024xf32> to vector<1x1024xf32>
    %swap3A_264 = arith.constant 12 : index
    %swap3A_265 = arith.constant 0 : index
    %swap3A_266 = vector.load %arg7[%swap3A_264, %swap3A_265] : memref<16x1024xf32, #tpu.memory_space<vmem>>, vector<1x1024xf32>
    tpu.vector_store %arg7[%swap3A_264, %swap3A_265], %broadcast_in_dim3A_263 {strides = array<i32>} : memref<16x1024xf32, #tpu.memory_space<vmem>>, vector<1x1024xf32>,
    %eq3A_267 = vector.broadcast %broadcast_in_dim3A_263 : vector<1x1024xf32> to vector<128x1024xf32>
    %eq3A_268 = arith.cmpf oeq, %get3A_260, %eq3A_267 : vector<128x1024xf32>
    %jit3A_269 = arith.constant 1073741824 : i32
    %broadcast_in_dim3A_270 = vector.broadcast %jit3A_269 : i32 to vector<128x1024xi32>
    %select_n3A_271 = arith.select %eq3A_268, %iota3A_1, %broadcast_in_dim3A_270 : vector<128x1024xi1>, vector<128x1024xi32>
    %reduce_min3A_272 = arith.constant dense<2147483647> : vector<1024xi32>
    %reduce_min3A_273 = vector.multi_reduction <minsi>, %select_n3A_271, %reduce_min3A_272 [0] : vector<128x1024xi32> to vector<1024xi32>
    %broadcast_in_dim3A_274 = vector.shape_cast %reduce_min3A_273 : vector<1024xi32> to vector<1x1024xi32>
    %swap3A_275 = arith.constant 12 : index
    %swap3A_276 = arith.constant 0 : index
    %swap3A_277 = vector.load %arg8[%swap3A_275, %swap3A_276] : memref<16x1024xi32, #tpu.memory_space<vmem>>, vector<1x1024xi32>
    tpu.vector_store %arg8[%swap3A_275, %swap3A_276], %broadcast_in_dim3A_274 {strides = array<i32>} : memref<16x1024xi32, #tpu.memory_space<vmem>>, vector<1x1024xi32>,
    %get3A_278 = arith.constant 1664 : index
    %get3A_279 = arith.constant 0 : index
    %get3A_280 = vector.load %arg4[%get3A_278, %get3A_279] : memref<2048x1024xf32, #tpu.memory_space<vmem>>, vector<128x1024xf32>
    %reduce_max3A_281 = arith.constant dense<0xFF800000> : vector<1024xf32>
    %reduce_max3A_282 = vector.multi_reduction <maximumf>, %get3A_280, %reduce_max3A_281 [0] : vector<128x1024xf32> to vector<1024xf32>
    %broadcast_in_dim3A_283 = vector.shape_cast %reduce_max3A_282 : vector<1024xf32> to vector<1x1024xf32>
    %swap3A_284 = arith.constant 13 : index
    %swap3A_285 = arith.constant 0 : index
    %swap3A_286 = vector.load %arg7[%swap3A_284, %swap3A_285] : memref<16x1024xf32, #tpu.memory_space<vmem>>, vector<1x1024xf32>
    tpu.vector_store %arg7[%swap3A_284, %swap3A_285], %broadcast_in_dim3A_283 {strides = array<i32>} : memref<16x1024xf32, #tpu.memory_space<vmem>>, vector<1x1024xf32>,
    %eq3A_287 = vector.broadcast %broadcast_in_dim3A_283 : vector<1x1024xf32> to vector<128x1024xf32>
    %eq3A_288 = arith.cmpf oeq, %get3A_280, %eq3A_287 : vector<128x1024xf32>
    %jit3A_289 = arith.constant 1073741824 : i32
    %broadcast_in_dim3A_290 = vector.broadcast %jit3A_289 : i32 to vector<128x1024xi32>
    %select_n3A_291 = arith.select %eq3A_288, %iota3A_1, %broadcast_in_dim3A_290 : vector<128x1024xi1>, vector<128x1024xi32>
    %reduce_min3A_292 = arith.constant dense<2147483647> : vector<1024xi32>
    %reduce_min3A_293 = vector.multi_reduction <minsi>, %select_n3A_291, %reduce_min3A_292 [0] : vector<128x1024xi32> to vector<1024xi32>
    %broadcast_in_dim3A_294 = vector.shape_cast %reduce_min3A_293 : vector<1024xi32> to vector<1x1024xi32>
    %swap3A_295 = arith.constant 13 : index
    %swap3A_296 = arith.constant 0 : index
    %swap3A_297 = vector.load %arg8[%swap3A_295, %swap3A_296] : memref<16x1024xi32, #tpu.memory_space<vmem>>, vector<1x1024xi32>
    tpu.vector_store %arg8[%swap3A_295, %swap3A_296], %broadcast_in_dim3A_294 {strides = array<i32>} : memref<16x1024xi32, #tpu.memory_space<vmem>>, vector<1x1024xi32>,
    %get3A_298 = arith.constant 1792 : index
    %get3A_299 = arith.constant 0 : index
    %get3A_300 = vector.load %arg4[%get3A_298, %get3A_299] : memref<2048x1024xf32, #tpu.memory_space<vmem>>, vector<128x1024xf32>
    %reduce_max3A_301 = arith.constant dense<0xFF800000> : vector<1024xf32>
    %reduce_max3A_302 = vector.multi_reduction <maximumf>, %get3A_300, %reduce_max3A_301 [0] : vector<128x1024xf32> to vector<1024xf32>
    %broadcast_in_dim3A_303 = vector.shape_cast %reduce_max3A_302 : vector<1024xf32> to vector<1x1024xf32>
    %swap3A_304 = arith.constant 14 : index
    %swap3A_305 = arith.constant 0 : index
    %swap3A_306 = vector.load %arg7[%swap3A_304, %swap3A_305] : memref<16x1024xf32, #tpu.memory_space<vmem>>, vector<1x1024xf32>
    tpu.vector_store %arg7[%swap3A_304, %swap3A_305], %broadcast_in_dim3A_303 {strides = array<i32>} : memref<16x1024xf32, #tpu.memory_space<vmem>>, vector<1x1024xf32>,
    %eq3A_307 = vector.broadcast %broadcast_in_dim3A_303 : vector<1x1024xf32> to vector<128x1024xf32>
    %eq3A_308 = arith.cmpf oeq, %get3A_300, %eq3A_307 : vector<128x1024xf32>
    %jit3A_309 = arith.constant 1073741824 : i32
    %broadcast_in_dim3A_310 = vector.broadcast %jit3A_309 : i32 to vector<128x1024xi32>
    %select_n3A_311 = arith.select %eq3A_308, %iota3A_1, %broadcast_in_dim3A_310 : vector<128x1024xi1>, vector<128x1024xi32>
    %reduce_min3A_312 = arith.constant dense<2147483647> : vector<1024xi32>
    %reduce_min3A_313 = vector.multi_reduction <minsi>, %select_n3A_311, %reduce_min3A_312 [0] : vector<128x1024xi32> to vector<1024xi32>
    %broadcast_in_dim3A_314 = vector.shape_cast %reduce_min3A_313 : vector<1024xi32> to vector<1x1024xi32>
    %swap3A_315 = arith.constant 14 : index
    %swap3A_316 = arith.constant 0 : index
    %swap3A_317 = vector.load %arg8[%swap3A_315, %swap3A_316] : memref<16x1024xi32, #tpu.memory_space<vmem>>, vector<1x1024xi32>
    tpu.vector_store %arg8[%swap3A_315, %swap3A_316], %broadcast_in_dim3A_314 {strides = array<i32>} : memref<16x1024xi32, #tpu.memory_space<vmem>>, vector<1x1024xi32>,
    %get3A_318 = arith.constant 1920 : index
    %get3A_319 = arith.constant 0 : index
    %get3A_320 = vector.load %arg4[%get3A_318, %get3A_319] : memref<2048x1024xf32, #tpu.memory_space<vmem>>, vector<128x1024xf32>
    %reduce_max3A_321 = arith.constant dense<0xFF800000> : vector<1024xf32>
    %reduce_max3A_322 = vector.multi_reduction <maximumf>, %get3A_320, %reduce_max3A_321 [0] : vector<128x1024xf32> to vector<1024xf32>
    %broadcast_in_dim3A_323 = vector.shape_cast %reduce_max3A_322 : vector<1024xf32> to vector<1x1024xf32>
    %swap3A_324 = arith.constant 15 : index
    %swap3A_325 = arith.constant 0 : index
    %swap3A_326 = vector.load %arg7[%swap3A_324, %swap3A_325] : memref<16x1024xf32, #tpu.memory_space<vmem>>, vector<1x1024xf32>
    tpu.vector_store %arg7[%swap3A_324, %swap3A_325], %broadcast_in_dim3A_323 {strides = array<i32>} : memref<16x1024xf32, #tpu.memory_space<vmem>>, vector<1x1024xf32>,
    %eq3A_327 = vector.broadcast %broadcast_in_dim3A_323 : vector<1x1024xf32> to vector<128x1024xf32>
    %eq3A_328 = arith.cmpf oeq, %get3A_320, %eq3A_327 : vector<128x1024xf32>
    %jit3A_329 = arith.constant 1073741824 : i32
    %broadcast_in_dim3A_330 = vector.broadcast %jit3A_329 : i32 to vector<128x1024xi32>
    %select_n3A_331 = arith.select %eq3A_328, %iota3A_1, %broadcast_in_dim3A_330 : vector<128x1024xi1>, vector<128x1024xi32>
    %reduce_min3A_332 = arith.constant dense<2147483647> : vector<1024xi32>
    %reduce_min3A_333 = vector.multi_reduction <minsi>, %select_n3A_331, %reduce_min3A_332 [0] : vector<128x1024xi32> to vector<1024xi32>
    %broadcast_in_dim3A_334 = vector.shape_cast %reduce_min3A_333 : vector<1024xi32> to vector<1x1024xi32>
    %swap3A_335 = arith.constant 15 : index
    %swap3A_336 = arith.constant 0 : index
    %swap3A_337 = vector.load %arg8[%swap3A_335, %swap3A_336] : memref<16x1024xi32, #tpu.memory_space<vmem>>, vector<1x1024xi32>
    tpu.vector_store %arg8[%swap3A_335, %swap3A_336], %broadcast_in_dim3A_334 {strides = array<i32>} : memref<16x1024xi32, #tpu.memory_space<vmem>>, vector<1x1024xi32>,
    %get3A_338 = arith.constant 0 : index
    %get3A_339 = arith.constant 0 : index
    %get3A_340 = vector.load %arg5[%get3A_338, %get3A_339] : memref<32x1024xf32, #tpu.memory_space<vmem>>, vector<32x1024xf32>
    %reduce_min3A_341 = arith.constant dense<0x7F800000> : vector<1024xf32>
    %reduce_min3A_342 = vector.multi_reduction <minimumf>, %get3A_340, %reduce_min3A_341 [0] : vector<32x1024xf32> to vector<1024xf32>
    %broadcast_in_dim3A_343 = vector.shape_cast %reduce_min3A_342 : vector<1024xf32> to vector<1x1024xf32>
    %get3A_344 = arith.constant 0 : index
    %get3A_345 = arith.constant 0 : index
    %get3A_346 = vector.load %arg7[%get3A_344, %get3A_345] : memref<16x1024xf32, #tpu.memory_space<vmem>>, vector<16x1024xf32>
    %gt3A = vector.broadcast %broadcast_in_dim3A_343 : vector<1x1024xf32> to vector<16x1024xf32>
    %gt3A_347 = arith.cmpf ogt, %get3A_346, %gt3A : vector<16x1024xf32>
    %reduce_or3A = arith.constant 1.000000e+00 : f32
    %reduce_or3A_348 = arith.constant 0.000000e+00 : f32
    %reduce_or3A_349 = vector.broadcast %reduce_or3A : f32 to vector<16x1024xf32>
    %reduce_or3A_350 = vector.broadcast %reduce_or3A_348 : f32 to vector<16x1024xf32>
    %reduce_or3A_351 = arith.select %gt3A_347, %reduce_or3A_349, %reduce_or3A_350 : vector<16x1024xi1>, vector<16x1024xf32>
    %reduce_or3A_352 = vector.shape_cast %reduce_or3A_351 : vector<16x1024xf32> to vector<1x16x1024xf32>
    %reduce_or3A_353 = arith.constant dense<0xFF800000> : vector<1xf32>
    %reduce_or3A_354 = vector.multi_reduction <maximumf>, %reduce_or3A_352, %reduce_or3A_353 [1, 2] : vector<1x16x1024xf32> to vector<1xf32>
    %reduce_or3A_355 = vector.shape_cast %reduce_or3A_354 : vector<1xf32> to vector<1x1x1xf32>
    %reduce_or3A_356 = vector.extract %reduce_or3A_355[0, 0, 0] : f32 from vector<1x1x1xf32>
    %reduce_or3A_357 = arith.constant 0.000000e+00 : f32
    %reduce_or3A_358 = arith.cmpf ogt, %reduce_or3A_356, %reduce_or3A_357 : f32
    %convert_element_type3A_359 = arith.extui %reduce_or3A_358 : i1 to i32
    %swap3A_360 = arith.constant 0 : index
    %swap3A_361 = memref.load %arg10[%swap3A_360] : memref<1xi32, #tpu.memory_space<smem>>
    memref.store %convert_element_type3A_359, %arg10[%swap3A_360] : memref<1xi32, #tpu.memory_space<smem>>
    %scan3A = arith.constant 1073741824 : i32
    %scan3A_362 = arith.constant 0 : i32
    %scan3A_363 = arith.constant 20 : i32
    %scan3A_364 = arith.addi %scan3A_362, %scan3A_363 : i32
    %scan3A_365 = arith.constant 1 : i32
    scf.for %scan3A_371 = %scan3A_362 to %scan3A_364 step %scan3A_365  : i32 {
      %get3A_372 = arith.constant 0 : index
      %get3A_373 = memref.load %arg10[%get3A_372] : memref<1xi32, #tpu.memory_space<smem>>
      %eq3A_374 = arith.constant 1 : i32
      %eq3A_375 = arith.cmpi eq, %get3A_373, %eq3A_374 : i32
      %convert_element_type3A_376 = arith.extui %eq3A_375 : i1 to i32
      %cond3A_377 = arith.constant 0 : i32
      %cond3A_378 = arith.cmpi ne, %convert_element_type3A_376, %cond3A_377 : i32
      scf.if %cond3A_378 {
        %broadcast_in_dim3A_379 = arith.constant 0 : i32
        %broadcast_in_dim3A_380 = vector.broadcast %broadcast_in_dim3A_379 : i32 to vector<16x1024xi32>
        %swap3A_381 = arith.constant 0 : index
        %swap3A_382 = arith.constant 0 : index
        %swap3A_383 = vector.load %arg9[%swap3A_381, %swap3A_382] : memref<16x1024xi32, #tpu.memory_space<vmem>>, vector<16x1024xi32>
        tpu.vector_store %arg9[%swap3A_381, %swap3A_382], %broadcast_in_dim3A_380 {strides = array<i32>} : memref<16x1024xi32, #tpu.memory_space<vmem>>, vector<16x1024xi32>,
        %swap3A_384 = arith.constant 1 : i32
        %swap3A_385 = arith.constant 0 : index
        %swap3A_386 = memref.load %arg11[%swap3A_385] : memref<1xi32, #tpu.memory_space<smem>>
        memref.store %swap3A_384, %arg11[%swap3A_385] : memref<1xi32, #tpu.memory_space<smem>>
        %scan3A_387 = arith.constant 0 : i32
        %scan3A_388 = arith.constant 20 : i32
        %scan3A_389 = arith.addi %scan3A_387, %scan3A_388 : i32
        %scan3A_390 = arith.constant 1 : i32
        scf.for %scan3A_662 = %scan3A_387 to %scan3A_389 step %scan3A_390  : i32 {
          %get3A_663 = arith.constant 0 : index
          %get3A_664 = memref.load %arg11[%get3A_663] : memref<1xi32, #tpu.memory_space<smem>>
          %eq3A_665 = arith.constant 1 : i32
          %eq3A_666 = arith.cmpi eq, %get3A_664, %eq3A_665 : i32
          %convert_element_type3A_667 = arith.extui %eq3A_666 : i1 to i32
          %cond3A_668 = arith.constant 0 : i32
          %cond3A_669 = arith.cmpi ne, %convert_element_type3A_667, %cond3A_668 : i32
          scf.if %cond3A_669 {
            %get3A_670 = arith.constant 0 : index
            %get3A_671 = arith.constant 0 : index
            %get3A_672 = vector.load %arg7[%get3A_670, %get3A_671] : memref<16x1024xf32, #tpu.memory_space<vmem>>, vector<16x1024xf32>
            %reduce_max3A_673 = arith.constant dense<0xFF800000> : vector<1024xf32>
            %reduce_max3A_674 = vector.multi_reduction <maximumf>, %get3A_672, %reduce_max3A_673 [0] : vector<16x1024xf32> to vector<1024xf32>
            %broadcast_in_dim3A_675 = vector.shape_cast %reduce_max3A_674 : vector<1024xf32> to vector<1x1024xf32>
            %eq3A_676 = vector.broadcast %broadcast_in_dim3A_675 : vector<1x1024xf32> to vector<16x1024xf32>
            %eq3A_677 = arith.cmpf oeq, %get3A_672, %eq3A_676 : vector<16x1024xf32>
            %broadcast_in_dim3A_678 = vector.broadcast %scan3A : i32 to vector<16x1024xi32>
            %select_n3A_679 = arith.select %eq3A_677, %iota3A_0, %broadcast_in_dim3A_678 : vector<16x1024xi1>, vector<16x1024xi32>
            %reduce_min3A_680 = arith.constant dense<2147483647> : vector<1024xi32>
            %reduce_min3A_681 = vector.multi_reduction <minsi>, %select_n3A_679, %reduce_min3A_680 [0] : vector<16x1024xi32> to vector<1024xi32>
            %broadcast_in_dim3A_682 = vector.shape_cast %reduce_min3A_681 : vector<1024xi32> to vector<1x1024xi32>
            %get3A_683 = arith.constant 0 : index
            %get3A_684 = arith.constant 0 : index
            %get3A_685 = vector.load %arg5[%get3A_683, %get3A_684] : memref<32x1024xf32, #tpu.memory_space<vmem>>, vector<32x1024xf32>
            %reduce_min3A_686 = arith.constant dense<0x7F800000> : vector<1024xf32>
            %reduce_min3A_687 = vector.multi_reduction <minimumf>, %get3A_685, %reduce_min3A_686 [0] : vector<32x1024xf32> to vector<1024xf32>
            %broadcast_in_dim3A_688 = vector.shape_cast %reduce_min3A_687 : vector<1024xf32> to vector<1x1024xf32>
            %gt3A_689 = arith.cmpf ogt, %broadcast_in_dim3A_675, %broadcast_in_dim3A_688 : vector<1x1024xf32>
            %eq3A_690 = vector.broadcast %broadcast_in_dim3A_688 : vector<1x1024xf32> to vector<32x1024xf32>
            %eq3A_691 = arith.cmpf oeq, %get3A_685, %eq3A_690 : vector<32x1024xf32>
            %broadcast_in_dim3A_692 = vector.broadcast %scan3A : i32 to vector<32x1024xi32>
            %select_n3A_693 = arith.select %eq3A_691, %iota3A, %broadcast_in_dim3A_692 : vector<32x1024xi1>, vector<32x1024xi32>
            %reduce_min3A_694 = arith.constant dense<2147483647> : vector<1024xi32>
            %reduce_min3A_695 = vector.multi_reduction <minsi>, %select_n3A_693, %reduce_min3A_694 [0] : vector<32x1024xi32> to vector<1024xi32>
            %broadcast_in_dim3A_696 = vector.shape_cast %reduce_min3A_695 : vector<1024xi32> to vector<1x1024xi32>
            %eq3A_697 = vector.broadcast %broadcast_in_dim3A_696 : vector<1x1024xi32> to vector<32x1024xi32>
            %eq3A_698 = arith.cmpi eq, %iota3A, %eq3A_697 : vector<32x1024xi32>
            %and3A = vector.broadcast %gt3A_689 : vector<1x1024xi1> to vector<32x1024xi1>
            %and3A_699 = arith.andi %eq3A_698, %and3A : vector<32x1024xi1>
            %eq3A_700 = vector.broadcast %broadcast_in_dim3A_682 : vector<1x1024xi32> to vector<16x1024xi32>
            %eq3A_701 = arith.cmpi eq, %iota3A_0, %eq3A_700 : vector<16x1024xi32>
            %get3A_702 = arith.constant 0 : index
            %get3A_703 = arith.constant 0 : index
            %get3A_704 = vector.load %arg8[%get3A_702, %get3A_703] : memref<16x1024xi32, #tpu.memory_space<vmem>>, vector<16x1024xi32>
            %jit3A_705 = arith.constant 0 : i32
            %broadcast_in_dim3A_706 = vector.broadcast %jit3A_705 : i32 to vector<16x1024xi32>
            %select_n3A_707 = arith.select %eq3A_701, %get3A_704, %broadcast_in_dim3A_706 : vector<16x1024xi1>, vector<16x1024xi32>
            %reduce_sum3A_708 = arith.constant dense<0> : vector<1024xi32>
            %reduce_sum3A_709 = vector.multi_reduction <add>, %select_n3A_707, %reduce_sum3A_708 [0] : vector<16x1024xi32> to vector<1024xi32>
            %broadcast_in_dim3A_710 = vector.shape_cast %reduce_sum3A_709 : vector<1024xi32> to vector<1x1024xi32>
            %mul3A_711 = arith.constant 2048 : i32
            %mul3A_712 = arith.muli %arg0, %mul3A_711 : i32
            %mul3A_713 = arith.constant 128 : i32
            %mul3A_714 = vector.broadcast %mul3A_713 : i32 to vector<1x1024xi32>
            %mul3A_715 = arith.muli %broadcast_in_dim3A_682, %mul3A_714 : vector<1x1024xi32>
            %add3A_716 = vector.broadcast %mul3A_712 : i32 to vector<1x1024xi32>
            %add3A_717 = arith.addi %add3A_716, %mul3A_715 : vector<1x1024xi32>
            %add3A_718 = arith.addi %add3A_717, %broadcast_in_dim3A_710 : vector<1x1024xi32>
            %broadcast_in_dim3A_719 = vector.shape_cast %broadcast_in_dim3A_675 : vector<1x1024xf32> to vector<1x1024xf32>
            %broadcast_in_dim3A_720 = vector.broadcast %broadcast_in_dim3A_719 : vector<1x1024xf32> to vector<32x1024xf32>
            %select_n3A_721 = arith.select %and3A_699, %broadcast_in_dim3A_720, %get3A_685 : vector<32x1024xi1>, vector<32x1024xf32>
            %swap3A_722 = arith.constant 0 : index
            %swap3A_723 = arith.constant 0 : index
            %swap3A_724 = vector.load %arg5[%swap3A_722, %swap3A_723] : memref<32x1024xf32, #tpu.memory_space<vmem>>, vector<32x1024xf32>
            tpu.vector_store %arg5[%swap3A_722, %swap3A_723], %select_n3A_721 {strides = array<i32>} : memref<32x1024xf32, #tpu.memory_space<vmem>>, vector<32x1024xf32>,
            %get3A_725 = arith.constant 0 : index
            %get3A_726 = arith.constant 0 : index
            %get3A_727 = vector.load %arg6[%get3A_725, %get3A_726] : memref<32x1024xi32, #tpu.memory_space<vmem>>, vector<32x1024xi32>
            %broadcast_in_dim3A_728 = vector.shape_cast %add3A_718 : vector<1x1024xi32> to vector<1x1024xi32>
            %broadcast_in_dim3A_729 = vector.broadcast %broadcast_in_dim3A_728 : vector<1x1024xi32> to vector<32x1024xi32>
            %select_n3A_730 = arith.select %and3A_699, %broadcast_in_dim3A_729, %get3A_727 : vector<32x1024xi1>, vector<32x1024xi32>
            %swap3A_731 = arith.constant 0 : index
            %swap3A_732 = arith.constant 0 : index
            %swap3A_733 = vector.load %arg6[%swap3A_731, %swap3A_732] : memref<32x1024xi32, #tpu.memory_space<vmem>>, vector<32x1024xi32>
            tpu.vector_store %arg6[%swap3A_731, %swap3A_732], %select_n3A_730 {strides = array<i32>} : memref<32x1024xi32, #tpu.memory_space<vmem>>, vector<32x1024xi32>,
            %eq3A_734 = vector.broadcast %broadcast_in_dim3A_682 : vector<1x1024xi32> to vector<16x1024xi32>
            %eq3A_735 = arith.cmpi eq, %iota3A_0, %eq3A_734 : vector<16x1024xi32>
            %and3A_736 = vector.broadcast %gt3A_689 : vector<1x1024xi1> to vector<16x1024xi1>
            %and3A_737 = arith.andi %eq3A_735, %and3A_736 : vector<16x1024xi1>
            %jit3A_738 = arith.constant 0xFF800000 : f32
            %broadcast_in_dim3A_739 = vector.broadcast %jit3A_738 : f32 to vector<16x1024xf32>
            %select_n3A_740 = arith.select %and3A_737, %broadcast_in_dim3A_739, %get3A_672 : vector<16x1024xi1>, vector<16x1024xf32>
            %swap3A_741 = arith.constant 0 : index
            %swap3A_742 = arith.constant 0 : index
            %swap3A_743 = vector.load %arg7[%swap3A_741, %swap3A_742] : memref<16x1024xf32, #tpu.memory_space<vmem>>, vector<16x1024xf32>
            tpu.vector_store %arg7[%swap3A_741, %swap3A_742], %select_n3A_740 {strides = array<i32>} : memref<16x1024xf32, #tpu.memory_space<vmem>>, vector<16x1024xf32>,
            %get3A_744 = arith.constant 0 : index
            %get3A_745 = arith.constant 0 : index
            %get3A_746 = vector.load %arg9[%get3A_744, %get3A_745] : memref<16x1024xi32, #tpu.memory_space<vmem>>, vector<16x1024xi32>
            %jit3A_747 = arith.constant 1 : i32
            %broadcast_in_dim3A_748 = vector.broadcast %jit3A_747 : i32 to vector<16x1024xi32>
            %select_n3A_749 = arith.select %and3A_737, %broadcast_in_dim3A_748, %get3A_746 : vector<16x1024xi1>, vector<16x1024xi32>
            %swap3A_750 = arith.constant 0 : index
            %swap3A_751 = arith.constant 0 : index
            %swap3A_752 = vector.load %arg9[%swap3A_750, %swap3A_751] : memref<16x1024xi32, #tpu.memory_space<vmem>>, vector<16x1024xi32>
            tpu.vector_store %arg9[%swap3A_750, %swap3A_751], %select_n3A_749 {strides = array<i32>} : memref<16x1024xi32, #tpu.memory_space<vmem>>, vector<16x1024xi32>,
            %reduce_max3A_753 = arith.constant dense<0xFF800000> : vector<1024xf32>
            %reduce_max3A_754 = vector.multi_reduction <maximumf>, %select_n3A_740, %reduce_max3A_753 [0] : vector<16x1024xf32> to vector<1024xf32>
            %broadcast_in_dim3A_755 = vector.shape_cast %reduce_max3A_754 : vector<1024xf32> to vector<1x1024xf32>
            %get3A_756 = arith.constant 0 : index
            %get3A_757 = arith.constant 0 : index
            %get3A_758 = vector.load %arg5[%get3A_756, %get3A_757] : memref<32x1024xf32, #tpu.memory_space<vmem>>, vector<32x1024xf32>
            %reduce_min3A_759 = arith.constant dense<0x7F800000> : vector<1024xf32>
            %reduce_min3A_760 = vector.multi_reduction <minimumf>, %get3A_758, %reduce_min3A_759 [0] : vector<32x1024xf32> to vector<1024xf32>
            %broadcast_in_dim3A_761 = vector.shape_cast %reduce_min3A_760 : vector<1024xf32> to vector<1x1024xf32>
            %gt3A_762 = arith.cmpf ogt, %broadcast_in_dim3A_755, %broadcast_in_dim3A_761 : vector<1x1024xf32>
            %reduce_or3A_763 = arith.constant 1.000000e+00 : f32
            %reduce_or3A_764 = arith.constant 0.000000e+00 : f32
            %reduce_or3A_765 = vector.broadcast %reduce_or3A_763 : f32 to vector<1x1024xf32>
            %reduce_or3A_766 = vector.broadcast %reduce_or3A_764 : f32 to vector<1x1024xf32>
            %reduce_or3A_767 = arith.select %gt3A_762, %reduce_or3A_765, %reduce_or3A_766 : vector<1x1024xi1>, vector<1x1024xf32>
            %reduce_or3A_768 = vector.shape_cast %reduce_or3A_767 : vector<1x1024xf32> to vector<1x1x1024xf32>
            %reduce_or3A_769 = arith.constant dense<0xFF800000> : vector<1xf32>
            %reduce_or3A_770 = vector.multi_reduction <maximumf>, %reduce_or3A_768, %reduce_or3A_769 [1, 2] : vector<1x1x1024xf32> to vector<1xf32>
            %reduce_or3A_771 = vector.shape_cast %reduce_or3A_770 : vector<1xf32> to vector<1x1x1xf32>
            %reduce_or3A_772 = vector.extract %reduce_or3A_771[0, 0, 0] : f32 from vector<1x1x1xf32>
            %reduce_or3A_773 = arith.constant 0.000000e+00 : f32
            %reduce_or3A_774 = arith.cmpf ogt, %reduce_or3A_772, %reduce_or3A_773 : f32
            %convert_element_type3A_775 = arith.extui %reduce_or3A_774 : i1 to i32
            %swap3A_776 = arith.constant 0 : index
            %swap3A_777 = memref.load %arg11[%swap3A_776] : memref<1xi32, #tpu.memory_space<smem>>
            memref.store %convert_element_type3A_775, %arg11[%swap3A_776] : memref<1xi32, #tpu.memory_space<smem>>
          } else {
          }
        }
        %get3A_391 = arith.constant 0 : index
        %get3A_392 = arith.constant 0 : index
        %get3A_393 = vector.load %arg9[%get3A_391, %get3A_392] : memref<16x1024xi32, #tpu.memory_space<vmem>>, vector<16x1024xi32>
        %get3A_394 = arith.constant 0 : index
        %get3A_395 = arith.constant 0 : index
        %get3A_396 = vector.load %arg8[%get3A_394, %get3A_395] : memref<16x1024xi32, #tpu.memory_space<vmem>>, vector<16x1024xi32>
        %slice3A = vector.extract_strided_slice %get3A_393 {offsets = [0, 0], sizes = [1, 1024], strides = [1, 1]} : vector<16x1024xi32> to vector<1x1024xi32>
        %reduce_max3A_397 = vector.shape_cast %slice3A : vector<1x1024xi32> to vector<1x1x1024xi32>
        %reduce_max3A_398 = arith.constant dense<-2147483648> : vector<1xi32>
        %reduce_max3A_399 = vector.multi_reduction <maxsi>, %reduce_max3A_397, %reduce_max3A_398 [1, 2] : vector<1x1x1024xi32> to vector<1xi32>
        %reduce_max3A_400 = vector.shape_cast %reduce_max3A_399 : vector<1xi32> to vector<1x1x1xi32>
        %reduce_max3A_401 = vector.extract %reduce_max3A_400[0, 0, 0] : i32 from vector<1x1x1xi32>
        %swap3A_402 = arith.constant 0 : index
        %swap3A_403 = memref.load %arg12[%swap3A_402] : memref<16xi32, #tpu.memory_space<smem>>
        memref.store %reduce_max3A_401, %arg12[%swap3A_402] : memref<16xi32, #tpu.memory_space<smem>>
        %slice3A_404 = vector.extract_strided_slice %get3A_393 {offsets = [1, 0], sizes = [1, 1024], strides = [1, 1]} : vector<16x1024xi32> to vector<1x1024xi32>
        %reduce_max3A_405 = vector.shape_cast %slice3A_404 : vector<1x1024xi32> to vector<1x1x1024xi32>
        %reduce_max3A_406 = arith.constant dense<-2147483648> : vector<1xi32>
        %reduce_max3A_407 = vector.multi_reduction <maxsi>, %reduce_max3A_405, %reduce_max3A_406 [1, 2] : vector<1x1x1024xi32> to vector<1xi32>
        %reduce_max3A_408 = vector.shape_cast %reduce_max3A_407 : vector<1xi32> to vector<1x1x1xi32>
        %reduce_max3A_409 = vector.extract %reduce_max3A_408[0, 0, 0] : i32 from vector<1x1x1xi32>
        %swap3A_410 = arith.constant 1 : index
        %swap3A_411 = memref.load %arg12[%swap3A_410] : memref<16xi32, #tpu.memory_space<smem>>
        memref.store %reduce_max3A_409, %arg12[%swap3A_410] : memref<16xi32, #tpu.memory_space<smem>>
        %slice3A_412 = vector.extract_strided_slice %get3A_393 {offsets = [2, 0], sizes = [1, 1024], strides = [1, 1]} : vector<16x1024xi32> to vector<1x1024xi32>
        %reduce_max3A_413 = vector.shape_cast %slice3A_412 : vector<1x1024xi32> to vector<1x1x1024xi32>
        %reduce_max3A_414 = arith.constant dense<-2147483648> : vector<1xi32>
        %reduce_max3A_415 = vector.multi_reduction <maxsi>, %reduce_max3A_413, %reduce_max3A_414 [1, 2] : vector<1x1x1024xi32> to vector<1xi32>
        %reduce_max3A_416 = vector.shape_cast %reduce_max3A_415 : vector<1xi32> to vector<1x1x1xi32>
        %reduce_max3A_417 = vector.extract %reduce_max3A_416[0, 0, 0] : i32 from vector<1x1x1xi32>
        %swap3A_418 = arith.constant 2 : index
        %swap3A_419 = memref.load %arg12[%swap3A_418] : memref<16xi32, #tpu.memory_space<smem>>
        memref.store %reduce_max3A_417, %arg12[%swap3A_418] : memref<16xi32, #tpu.memory_space<smem>>
        %slice3A_420 = vector.extract_strided_slice %get3A_393 {offsets = [3, 0], sizes = [1, 1024], strides = [1, 1]} : vector<16x1024xi32> to vector<1x1024xi32>
        %reduce_max3A_421 = vector.shape_cast %slice3A_420 : vector<1x1024xi32> to vector<1x1x1024xi32>
        %reduce_max3A_422 = arith.constant dense<-2147483648> : vector<1xi32>
        %reduce_max3A_423 = vector.multi_reduction <maxsi>, %reduce_max3A_421, %reduce_max3A_422 [1, 2] : vector<1x1x1024xi32> to vector<1xi32>
        %reduce_max3A_424 = vector.shape_cast %reduce_max3A_423 : vector<1xi32> to vector<1x1x1xi32>
        %reduce_max3A_425 = vector.extract %reduce_max3A_424[0, 0, 0] : i32 from vector<1x1x1xi32>
        %swap3A_426 = arith.constant 3 : index
        %swap3A_427 = memref.load %arg12[%swap3A_426] : memref<16xi32, #tpu.memory_space<smem>>
        memref.store %reduce_max3A_425, %arg12[%swap3A_426] : memref<16xi32, #tpu.memory_space<smem>>
        %slice3A_428 = vector.extract_strided_slice %get3A_393 {offsets = [4, 0], sizes = [1, 1024], strides = [1, 1]} : vector<16x1024xi32> to vector<1x1024xi32>
        %reduce_max3A_429 = vector.shape_cast %slice3A_428 : vector<1x1024xi32> to vector<1x1x1024xi32>
        %reduce_max3A_430 = arith.constant dense<-2147483648> : vector<1xi32>
        %reduce_max3A_431 = vector.multi_reduction <maxsi>, %reduce_max3A_429, %reduce_max3A_430 [1, 2] : vector<1x1x1024xi32> to vector<1xi32>
        %reduce_max3A_432 = vector.shape_cast %reduce_max3A_431 : vector<1xi32> to vector<1x1x1xi32>
        %reduce_max3A_433 = vector.extract %reduce_max3A_432[0, 0, 0] : i32 from vector<1x1x1xi32>
        %swap3A_434 = arith.constant 4 : index
        %swap3A_435 = memref.load %arg12[%swap3A_434] : memref<16xi32, #tpu.memory_space<smem>>
        memref.store %reduce_max3A_433, %arg12[%swap3A_434] : memref<16xi32, #tpu.memory_space<smem>>
        %slice3A_436 = vector.extract_strided_slice %get3A_393 {offsets = [5, 0], sizes = [1, 1024], strides = [1, 1]} : vector<16x1024xi32> to vector<1x1024xi32>
        %reduce_max3A_437 = vector.shape_cast %slice3A_436 : vector<1x1024xi32> to vector<1x1x1024xi32>
        %reduce_max3A_438 = arith.constant dense<-2147483648> : vector<1xi32>
        %reduce_max3A_439 = vector.multi_reduction <maxsi>, %reduce_max3A_437, %reduce_max3A_438 [1, 2] : vector<1x1x1024xi32> to vector<1xi32>
        %reduce_max3A_440 = vector.shape_cast %reduce_max3A_439 : vector<1xi32> to vector<1x1x1xi32>
        %reduce_max3A_441 = vector.extract %reduce_max3A_440[0, 0, 0] : i32 from vector<1x1x1xi32>
        %swap3A_442 = arith.constant 5 : index
        %swap3A_443 = memref.load %arg12[%swap3A_442] : memref<16xi32, #tpu.memory_space<smem>>
        memref.store %reduce_max3A_441, %arg12[%swap3A_442] : memref<16xi32, #tpu.memory_space<smem>>
        %slice3A_444 = vector.extract_strided_slice %get3A_393 {offsets = [6, 0], sizes = [1, 1024], strides = [1, 1]} : vector<16x1024xi32> to vector<1x1024xi32>
        %reduce_max3A_445 = vector.shape_cast %slice3A_444 : vector<1x1024xi32> to vector<1x1x1024xi32>
        %reduce_max3A_446 = arith.constant dense<-2147483648> : vector<1xi32>
        %reduce_max3A_447 = vector.multi_reduction <maxsi>, %reduce_max3A_445, %reduce_max3A_446 [1, 2] : vector<1x1x1024xi32> to vector<1xi32>
        %reduce_max3A_448 = vector.shape_cast %reduce_max3A_447 : vector<1xi32> to vector<1x1x1xi32>
        %reduce_max3A_449 = vector.extract %reduce_max3A_448[0, 0, 0] : i32 from vector<1x1x1xi32>
        %swap3A_450 = arith.constant 6 : index
        %swap3A_451 = memref.load %arg12[%swap3A_450] : memref<16xi32, #tpu.memory_space<smem>>
        memref.store %reduce_max3A_449, %arg12[%swap3A_450] : memref<16xi32, #tpu.memory_space<smem>>
        %slice3A_452 = vector.extract_strided_slice %get3A_393 {offsets = [7, 0], sizes = [1, 1024], strides = [1, 1]} : vector<16x1024xi32> to vector<1x1024xi32>
        %reduce_max3A_453 = vector.shape_cast %slice3A_452 : vector<1x1024xi32> to vector<1x1x1024xi32>
        %reduce_max3A_454 = arith.constant dense<-2147483648> : vector<1xi32>
        %reduce_max3A_455 = vector.multi_reduction <maxsi>, %reduce_max3A_453, %reduce_max3A_454 [1, 2] : vector<1x1x1024xi32> to vector<1xi32>
        %reduce_max3A_456 = vector.shape_cast %reduce_max3A_455 : vector<1xi32> to vector<1x1x1xi32>
        %reduce_max3A_457 = vector.extract %reduce_max3A_456[0, 0, 0] : i32 from vector<1x1x1xi32>
        %swap3A_458 = arith.constant 7 : index
        %swap3A_459 = memref.load %arg12[%swap3A_458] : memref<16xi32, #tpu.memory_space<smem>>
        memref.store %reduce_max3A_457, %arg12[%swap3A_458] : memref<16xi32, #tpu.memory_space<smem>>
        %slice3A_460 = vector.extract_strided_slice %get3A_393 {offsets = [8, 0], sizes = [1, 1024], strides = [1, 1]} : vector<16x1024xi32> to vector<1x1024xi32>
        %reduce_max3A_461 = vector.shape_cast %slice3A_460 : vector<1x1024xi32> to vector<1x1x1024xi32>
        %reduce_max3A_462 = arith.constant dense<-2147483648> : vector<1xi32>
        %reduce_max3A_463 = vector.multi_reduction <maxsi>, %reduce_max3A_461, %reduce_max3A_462 [1, 2] : vector<1x1x1024xi32> to vector<1xi32>
        %reduce_max3A_464 = vector.shape_cast %reduce_max3A_463 : vector<1xi32> to vector<1x1x1xi32>
        %reduce_max3A_465 = vector.extract %reduce_max3A_464[0, 0, 0] : i32 from vector<1x1x1xi32>
        %swap3A_466 = arith.constant 8 : index
        %swap3A_467 = memref.load %arg12[%swap3A_466] : memref<16xi32, #tpu.memory_space<smem>>
        memref.store %reduce_max3A_465, %arg12[%swap3A_466] : memref<16xi32, #tpu.memory_space<smem>>
        %slice3A_468 = vector.extract_strided_slice %get3A_393 {offsets = [9, 0], sizes = [1, 1024], strides = [1, 1]} : vector<16x1024xi32> to vector<1x1024xi32>
        %reduce_max3A_469 = vector.shape_cast %slice3A_468 : vector<1x1024xi32> to vector<1x1x1024xi32>
        %reduce_max3A_470 = arith.constant dense<-2147483648> : vector<1xi32>
        %reduce_max3A_471 = vector.multi_reduction <maxsi>, %reduce_max3A_469, %reduce_max3A_470 [1, 2] : vector<1x1x1024xi32> to vector<1xi32>
        %reduce_max3A_472 = vector.shape_cast %reduce_max3A_471 : vector<1xi32> to vector<1x1x1xi32>
        %reduce_max3A_473 = vector.extract %reduce_max3A_472[0, 0, 0] : i32 from vector<1x1x1xi32>
        %swap3A_474 = arith.constant 9 : index
        %swap3A_475 = memref.load %arg12[%swap3A_474] : memref<16xi32, #tpu.memory_space<smem>>
        memref.store %reduce_max3A_473, %arg12[%swap3A_474] : memref<16xi32, #tpu.memory_space<smem>>
        %slice3A_476 = vector.extract_strided_slice %get3A_393 {offsets = [10, 0], sizes = [1, 1024], strides = [1, 1]} : vector<16x1024xi32> to vector<1x1024xi32>
        %reduce_max3A_477 = vector.shape_cast %slice3A_476 : vector<1x1024xi32> to vector<1x1x1024xi32>
        %reduce_max3A_478 = arith.constant dense<-2147483648> : vector<1xi32>
        %reduce_max3A_479 = vector.multi_reduction <maxsi>, %reduce_max3A_477, %reduce_max3A_478 [1, 2] : vector<1x1x1024xi32> to vector<1xi32>
        %reduce_max3A_480 = vector.shape_cast %reduce_max3A_479 : vector<1xi32> to vector<1x1x1xi32>
        %reduce_max3A_481 = vector.extract %reduce_max3A_480[0, 0, 0] : i32 from vector<1x1x1xi32>
        %swap3A_482 = arith.constant 10 : index
        %swap3A_483 = memref.load %arg12[%swap3A_482] : memref<16xi32, #tpu.memory_space<smem>>
        memref.store %reduce_max3A_481, %arg12[%swap3A_482] : memref<16xi32, #tpu.memory_space<smem>>
        %slice3A_484 = vector.extract_strided_slice %get3A_393 {offsets = [11, 0], sizes = [1, 1024], strides = [1, 1]} : vector<16x1024xi32> to vector<1x1024xi32>
        %reduce_max3A_485 = vector.shape_cast %slice3A_484 : vector<1x1024xi32> to vector<1x1x1024xi32>
        %reduce_max3A_486 = arith.constant dense<-2147483648> : vector<1xi32>
        %reduce_max3A_487 = vector.multi_reduction <maxsi>, %reduce_max3A_485, %reduce_max3A_486 [1, 2] : vector<1x1x1024xi32> to vector<1xi32>
        %reduce_max3A_488 = vector.shape_cast %reduce_max3A_487 : vector<1xi32> to vector<1x1x1xi32>
        %reduce_max3A_489 = vector.extract %reduce_max3A_488[0, 0, 0] : i32 from vector<1x1x1xi32>
        %swap3A_490 = arith.constant 11 : index
        %swap3A_491 = memref.load %arg12[%swap3A_490] : memref<16xi32, #tpu.memory_space<smem>>
        memref.store %reduce_max3A_489, %arg12[%swap3A_490] : memref<16xi32, #tpu.memory_space<smem>>
        %slice3A_492 = vector.extract_strided_slice %get3A_393 {offsets = [12, 0], sizes = [1, 1024], strides = [1, 1]} : vector<16x1024xi32> to vector<1x1024xi32>
        %reduce_max3A_493 = vector.shape_cast %slice3A_492 : vector<1x1024xi32> to vector<1x1x1024xi32>
        %reduce_max3A_494 = arith.constant dense<-2147483648> : vector<1xi32>
        %reduce_max3A_495 = vector.multi_reduction <maxsi>, %reduce_max3A_493, %reduce_max3A_494 [1, 2] : vector<1x1x1024xi32> to vector<1xi32>
        %reduce_max3A_496 = vector.shape_cast %reduce_max3A_495 : vector<1xi32> to vector<1x1x1xi32>
        %reduce_max3A_497 = vector.extract %reduce_max3A_496[0, 0, 0] : i32 from vector<1x1x1xi32>
        %swap3A_498 = arith.constant 12 : index
        %swap3A_499 = memref.load %arg12[%swap3A_498] : memref<16xi32, #tpu.memory_space<smem>>
        memref.store %reduce_max3A_497, %arg12[%swap3A_498] : memref<16xi32, #tpu.memory_space<smem>>
        %slice3A_500 = vector.extract_strided_slice %get3A_393 {offsets = [13, 0], sizes = [1, 1024], strides = [1, 1]} : vector<16x1024xi32> to vector<1x1024xi32>
        %reduce_max3A_501 = vector.shape_cast %slice3A_500 : vector<1x1024xi32> to vector<1x1x1024xi32>
        %reduce_max3A_502 = arith.constant dense<-2147483648> : vector<1xi32>
        %reduce_max3A_503 = vector.multi_reduction <maxsi>, %reduce_max3A_501, %reduce_max3A_502 [1, 2] : vector<1x1x1024xi32> to vector<1xi32>
        %reduce_max3A_504 = vector.shape_cast %reduce_max3A_503 : vector<1xi32> to vector<1x1x1xi32>
        %reduce_max3A_505 = vector.extract %reduce_max3A_504[0, 0, 0] : i32 from vector<1x1x1xi32>
        %swap3A_506 = arith.constant 13 : index
        %swap3A_507 = memref.load %arg12[%swap3A_506] : memref<16xi32, #tpu.memory_space<smem>>
        memref.store %reduce_max3A_505, %arg12[%swap3A_506] : memref<16xi32, #tpu.memory_space<smem>>
        %slice3A_508 = vector.extract_strided_slice %get3A_393 {offsets = [14, 0], sizes = [1, 1024], strides = [1, 1]} : vector<16x1024xi32> to vector<1x1024xi32>
        %reduce_max3A_509 = vector.shape_cast %slice3A_508 : vector<1x1024xi32> to vector<1x1x1024xi32>
        %reduce_max3A_510 = arith.constant dense<-2147483648> : vector<1xi32>
        %reduce_max3A_511 = vector.multi_reduction <maxsi>, %reduce_max3A_509, %reduce_max3A_510 [1, 2] : vector<1x1x1024xi32> to vector<1xi32>
        %reduce_max3A_512 = vector.shape_cast %reduce_max3A_511 : vector<1xi32> to vector<1x1x1xi32>
        %reduce_max3A_513 = vector.extract %reduce_max3A_512[0, 0, 0] : i32 from vector<1x1x1xi32>
        %swap3A_514 = arith.constant 14 : index
        %swap3A_515 = memref.load %arg12[%swap3A_514] : memref<16xi32, #tpu.memory_space<smem>>
        memref.store %reduce_max3A_513, %arg12[%swap3A_514] : memref<16xi32, #tpu.memory_space<smem>>
        %slice3A_516 = vector.extract_strided_slice %get3A_393 {offsets = [15, 0], sizes = [1, 1024], strides = [1, 1]} : vector<16x1024xi32> to vector<1x1024xi32>
        %reduce_max3A_517 = vector.shape_cast %slice3A_516 : vector<1x1024xi32> to vector<1x1x1024xi32>
        %reduce_max3A_518 = arith.constant dense<-2147483648> : vector<1xi32>
        %reduce_max3A_519 = vector.multi_reduction <maxsi>, %reduce_max3A_517, %reduce_max3A_518 [1, 2] : vector<1x1x1024xi32> to vector<1xi32>
        %reduce_max3A_520 = vector.shape_cast %reduce_max3A_519 : vector<1xi32> to vector<1x1x1xi32>
        %reduce_max3A_521 = vector.extract %reduce_max3A_520[0, 0, 0] : i32 from vector<1x1x1xi32>
        %swap3A_522 = arith.constant 15 : index
        %swap3A_523 = memref.load %arg12[%swap3A_522] : memref<16xi32, #tpu.memory_space<smem>>
        memref.store %reduce_max3A_521, %arg12[%swap3A_522] : memref<16xi32, #tpu.memory_space<smem>>
        %get3A_524 = arith.constant 0 : index
        %get3A_525 = memref.load %arg12[%get3A_524] : memref<16xi32, #tpu.memory_space<smem>>
        %eq3A_526 = arith.constant 1 : i32
        %eq3A_527 = arith.cmpi eq, %get3A_525, %eq3A_526 : i32
        %convert_element_type3A_528 = arith.extui %eq3A_527 : i1 to i32
        %cond3A_529 = arith.constant 0 : i32
        %cond3A_530 = arith.cmpi ne, %convert_element_type3A_528, %cond3A_529 : i32
        scf.if %cond3A_530 {
          %get3A_662 = arith.constant 0 : index
          %get3A_663 = arith.constant 0 : index
          %get3A_664 = vector.load %arg4[%get3A_662, %get3A_663] : memref<2048x1024xf32, #tpu.memory_space<vmem>>, vector<128x1024xf32>
          %slice3A_665 = vector.extract_strided_slice %get3A_396 {offsets = [0, 0], sizes = [1, 1024], strides = [1, 1]} : vector<16x1024xi32> to vector<1x1024xi32>
          %eq3A_666 = vector.broadcast %slice3A_665 : vector<1x1024xi32> to vector<128x1024xi32>
          %eq3A_667 = arith.cmpi eq, %iota3A_1, %eq3A_666 : vector<128x1024xi32>
          %slice3A_668 = vector.extract_strided_slice %get3A_393 {offsets = [0, 0], sizes = [1, 1024], strides = [1, 1]} : vector<16x1024xi32> to vector<1x1024xi32>
          %eq3A_669 = arith.constant 1 : i32
          %eq3A_670 = vector.broadcast %eq3A_669 : i32 to vector<1x1024xi32>
          %eq3A_671 = arith.cmpi eq, %slice3A_668, %eq3A_670 : vector<1x1024xi32>
          %and3A = vector.broadcast %eq3A_671 : vector<1x1024xi1> to vector<128x1024xi1>
          %and3A_672 = arith.andi %eq3A_667, %and3A : vector<128x1024xi1>
          %jit3A_673 = arith.constant 0xFF800000 : f32
          %broadcast_in_dim3A_674 = vector.broadcast %jit3A_673 : f32 to vector<128x1024xf32>
          %select_n3A_675 = arith.select %and3A_672, %broadcast_in_dim3A_674, %get3A_664 : vector<128x1024xi1>, vector<128x1024xf32>
          %swap3A_676 = arith.constant 0 : index
          %swap3A_677 = arith.constant 0 : index
          %swap3A_678 = vector.load %arg4[%swap3A_676, %swap3A_677] : memref<2048x1024xf32, #tpu.memory_space<vmem>>, vector<128x1024xf32>
          tpu.vector_store %arg4[%swap3A_676, %swap3A_677], %select_n3A_675 {strides = array<i32>} : memref<2048x1024xf32, #tpu.memory_space<vmem>>, vector<128x1024xf32>,
          %reduce_max3A_679 = arith.constant dense<0xFF800000> : vector<1024xf32>
          %reduce_max3A_680 = vector.multi_reduction <maximumf>, %select_n3A_675, %reduce_max3A_679 [0] : vector<128x1024xf32> to vector<1024xf32>
          %broadcast_in_dim3A_681 = vector.shape_cast %reduce_max3A_680 : vector<1024xf32> to vector<1x1024xf32>
          %swap3A_682 = arith.constant 0 : index
          %swap3A_683 = arith.constant 0 : index
          %swap3A_684 = vector.load %arg7[%swap3A_682, %swap3A_683] : memref<16x1024xf32, #tpu.memory_space<vmem>>, vector<1x1024xf32>
          tpu.vector_store %arg7[%swap3A_682, %swap3A_683], %broadcast_in_dim3A_681 {strides = array<i32>} : memref<16x1024xf32, #tpu.memory_space<vmem>>, vector<1x1024xf32>,
          %eq3A_685 = vector.broadcast %broadcast_in_dim3A_681 : vector<1x1024xf32> to vector<128x1024xf32>
          %eq3A_686 = arith.cmpf oeq, %select_n3A_675, %eq3A_685 : vector<128x1024xf32>
          %broadcast_in_dim3A_687 = vector.broadcast %scan3A : i32 to vector<128x1024xi32>
          %select_n3A_688 = arith.select %eq3A_686, %iota3A_1, %broadcast_in_dim3A_687 : vector<128x1024xi1>, vector<128x1024xi32>
          %reduce_min3A_689 = arith.constant dense<2147483647> : vector<1024xi32>
          %reduce_min3A_690 = vector.multi_reduction <minsi>, %select_n3A_688, %reduce_min3A_689 [0] : vector<128x1024xi32> to vector<1024xi32>
          %broadcast_in_dim3A_691 = vector.shape_cast %reduce_min3A_690 : vector<1024xi32> to vector<1x1024xi32>
          %swap3A_692 = arith.constant 0 : index
          %swap3A_693 = arith.constant 0 : index
          %swap3A_694 = vector.load %arg8[%swap3A_692, %swap3A_693] : memref<16x1024xi32, #tpu.memory_space<vmem>>, vector<1x1024xi32>
          tpu.vector_store %arg8[%swap3A_692, %swap3A_693], %broadcast_in_dim3A_691 {strides = array<i32>} : memref<16x1024xi32, #tpu.memory_space<vmem>>, vector<1x1024xi32>,
        } else {
        }
        %get3A_531 = arith.constant 1 : index
        %get3A_532 = memref.load %arg12[%get3A_531] : memref<16xi32, #tpu.memory_space<smem>>
        %eq3A_533 = arith.constant 1 : i32
        %eq3A_534 = arith.cmpi eq, %get3A_532, %eq3A_533 : i32
        %convert_element_type3A_535 = arith.extui %eq3A_534 : i1 to i32
        %cond3A_536 = arith.constant 0 : i32
        %cond3A_537 = arith.cmpi ne, %convert_element_type3A_535, %cond3A_536 : i32
        scf.if %cond3A_537 {
          %get3A_662 = arith.constant 128 : index
          %get3A_663 = arith.constant 0 : index
          %get3A_664 = vector.load %arg4[%get3A_662, %get3A_663] : memref<2048x1024xf32, #tpu.memory_space<vmem>>, vector<128x1024xf32>
          %slice3A_665 = vector.extract_strided_slice %get3A_396 {offsets = [1, 0], sizes = [1, 1024], strides = [1, 1]} : vector<16x1024xi32> to vector<1x1024xi32>
          %eq3A_666 = vector.broadcast %slice3A_665 : vector<1x1024xi32> to vector<128x1024xi32>
          %eq3A_667 = arith.cmpi eq, %iota3A_1, %eq3A_666 : vector<128x1024xi32>
          %slice3A_668 = vector.extract_strided_slice %get3A_393 {offsets = [1, 0], sizes = [1, 1024], strides = [1, 1]} : vector<16x1024xi32> to vector<1x1024xi32>
          %eq3A_669 = arith.constant 1 : i32
          %eq3A_670 = vector.broadcast %eq3A_669 : i32 to vector<1x1024xi32>
          %eq3A_671 = arith.cmpi eq, %slice3A_668, %eq3A_670 : vector<1x1024xi32>
          %and3A = vector.broadcast %eq3A_671 : vector<1x1024xi1> to vector<128x1024xi1>
          %and3A_672 = arith.andi %eq3A_667, %and3A : vector<128x1024xi1>
          %jit3A_673 = arith.constant 0xFF800000 : f32
          %broadcast_in_dim3A_674 = vector.broadcast %jit3A_673 : f32 to vector<128x1024xf32>
          %select_n3A_675 = arith.select %and3A_672, %broadcast_in_dim3A_674, %get3A_664 : vector<128x1024xi1>, vector<128x1024xf32>
          %swap3A_676 = arith.constant 128 : index
          %swap3A_677 = arith.constant 0 : index
          %swap3A_678 = vector.load %arg4[%swap3A_676, %swap3A_677] : memref<2048x1024xf32, #tpu.memory_space<vmem>>, vector<128x1024xf32>
          tpu.vector_store %arg4[%swap3A_676, %swap3A_677], %select_n3A_675 {strides = array<i32>} : memref<2048x1024xf32, #tpu.memory_space<vmem>>, vector<128x1024xf32>,
          %reduce_max3A_679 = arith.constant dense<0xFF800000> : vector<1024xf32>
          %reduce_max3A_680 = vector.multi_reduction <maximumf>, %select_n3A_675, %reduce_max3A_679 [0] : vector<128x1024xf32> to vector<1024xf32>
          %broadcast_in_dim3A_681 = vector.shape_cast %reduce_max3A_680 : vector<1024xf32> to vector<1x1024xf32>
          %swap3A_682 = arith.constant 1 : index
          %swap3A_683 = arith.constant 0 : index
          %swap3A_684 = vector.load %arg7[%swap3A_682, %swap3A_683] : memref<16x1024xf32, #tpu.memory_space<vmem>>, vector<1x1024xf32>
          tpu.vector_store %arg7[%swap3A_682, %swap3A_683], %broadcast_in_dim3A_681 {strides = array<i32>} : memref<16x1024xf32, #tpu.memory_space<vmem>>, vector<1x1024xf32>,
          %eq3A_685 = vector.broadcast %broadcast_in_dim3A_681 : vector<1x1024xf32> to vector<128x1024xf32>
          %eq3A_686 = arith.cmpf oeq, %select_n3A_675, %eq3A_685 : vector<128x1024xf32>
          %broadcast_in_dim3A_687 = vector.broadcast %scan3A : i32 to vector<128x1024xi32>
          %select_n3A_688 = arith.select %eq3A_686, %iota3A_1, %broadcast_in_dim3A_687 : vector<128x1024xi1>, vector<128x1024xi32>
          %reduce_min3A_689 = arith.constant dense<2147483647> : vector<1024xi32>
          %reduce_min3A_690 = vector.multi_reduction <minsi>, %select_n3A_688, %reduce_min3A_689 [0] : vector<128x1024xi32> to vector<1024xi32>
          %broadcast_in_dim3A_691 = vector.shape_cast %reduce_min3A_690 : vector<1024xi32> to vector<1x1024xi32>
          %swap3A_692 = arith.constant 1 : index
          %swap3A_693 = arith.constant 0 : index
          %swap3A_694 = vector.load %arg8[%swap3A_692, %swap3A_693] : memref<16x1024xi32, #tpu.memory_space<vmem>>, vector<1x1024xi32>
          tpu.vector_store %arg8[%swap3A_692, %swap3A_693], %broadcast_in_dim3A_691 {strides = array<i32>} : memref<16x1024xi32, #tpu.memory_space<vmem>>, vector<1x1024xi32>,
        } else {
        }
        %get3A_538 = arith.constant 2 : index
        %get3A_539 = memref.load %arg12[%get3A_538] : memref<16xi32, #tpu.memory_space<smem>>
        %eq3A_540 = arith.constant 1 : i32
        %eq3A_541 = arith.cmpi eq, %get3A_539, %eq3A_540 : i32
        %convert_element_type3A_542 = arith.extui %eq3A_541 : i1 to i32
        %cond3A_543 = arith.constant 0 : i32
        %cond3A_544 = arith.cmpi ne, %convert_element_type3A_542, %cond3A_543 : i32
        scf.if %cond3A_544 {
          %get3A_662 = arith.constant 256 : index
          %get3A_663 = arith.constant 0 : index
          %get3A_664 = vector.load %arg4[%get3A_662, %get3A_663] : memref<2048x1024xf32, #tpu.memory_space<vmem>>, vector<128x1024xf32>
          %slice3A_665 = vector.extract_strided_slice %get3A_396 {offsets = [2, 0], sizes = [1, 1024], strides = [1, 1]} : vector<16x1024xi32> to vector<1x1024xi32>
          %eq3A_666 = vector.broadcast %slice3A_665 : vector<1x1024xi32> to vector<128x1024xi32>
          %eq3A_667 = arith.cmpi eq, %iota3A_1, %eq3A_666 : vector<128x1024xi32>
          %slice3A_668 = vector.extract_strided_slice %get3A_393 {offsets = [2, 0], sizes = [1, 1024], strides = [1, 1]} : vector<16x1024xi32> to vector<1x1024xi32>
          %eq3A_669 = arith.constant 1 : i32
          %eq3A_670 = vector.broadcast %eq3A_669 : i32 to vector<1x1024xi32>
          %eq3A_671 = arith.cmpi eq, %slice3A_668, %eq3A_670 : vector<1x1024xi32>
          %and3A = vector.broadcast %eq3A_671 : vector<1x1024xi1> to vector<128x1024xi1>
          %and3A_672 = arith.andi %eq3A_667, %and3A : vector<128x1024xi1>
          %jit3A_673 = arith.constant 0xFF800000 : f32
          %broadcast_in_dim3A_674 = vector.broadcast %jit3A_673 : f32 to vector<128x1024xf32>
          %select_n3A_675 = arith.select %and3A_672, %broadcast_in_dim3A_674, %get3A_664 : vector<128x1024xi1>, vector<128x1024xf32>
          %swap3A_676 = arith.constant 256 : index
          %swap3A_677 = arith.constant 0 : index
          %swap3A_678 = vector.load %arg4[%swap3A_676, %swap3A_677] : memref<2048x1024xf32, #tpu.memory_space<vmem>>, vector<128x1024xf32>
          tpu.vector_store %arg4[%swap3A_676, %swap3A_677], %select_n3A_675 {strides = array<i32>} : memref<2048x1024xf32, #tpu.memory_space<vmem>>, vector<128x1024xf32>,
          %reduce_max3A_679 = arith.constant dense<0xFF800000> : vector<1024xf32>
          %reduce_max3A_680 = vector.multi_reduction <maximumf>, %select_n3A_675, %reduce_max3A_679 [0] : vector<128x1024xf32> to vector<1024xf32>
          %broadcast_in_dim3A_681 = vector.shape_cast %reduce_max3A_680 : vector<1024xf32> to vector<1x1024xf32>
          %swap3A_682 = arith.constant 2 : index
          %swap3A_683 = arith.constant 0 : index
          %swap3A_684 = vector.load %arg7[%swap3A_682, %swap3A_683] : memref<16x1024xf32, #tpu.memory_space<vmem>>, vector<1x1024xf32>
          tpu.vector_store %arg7[%swap3A_682, %swap3A_683], %broadcast_in_dim3A_681 {strides = array<i32>} : memref<16x1024xf32, #tpu.memory_space<vmem>>, vector<1x1024xf32>,
          %eq3A_685 = vector.broadcast %broadcast_in_dim3A_681 : vector<1x1024xf32> to vector<128x1024xf32>
          %eq3A_686 = arith.cmpf oeq, %select_n3A_675, %eq3A_685 : vector<128x1024xf32>
          %broadcast_in_dim3A_687 = vector.broadcast %scan3A : i32 to vector<128x1024xi32>
          %select_n3A_688 = arith.select %eq3A_686, %iota3A_1, %broadcast_in_dim3A_687 : vector<128x1024xi1>, vector<128x1024xi32>
          %reduce_min3A_689 = arith.constant dense<2147483647> : vector<1024xi32>
          %reduce_min3A_690 = vector.multi_reduction <minsi>, %select_n3A_688, %reduce_min3A_689 [0] : vector<128x1024xi32> to vector<1024xi32>
          %broadcast_in_dim3A_691 = vector.shape_cast %reduce_min3A_690 : vector<1024xi32> to vector<1x1024xi32>
          %swap3A_692 = arith.constant 2 : index
          %swap3A_693 = arith.constant 0 : index
          %swap3A_694 = vector.load %arg8[%swap3A_692, %swap3A_693] : memref<16x1024xi32, #tpu.memory_space<vmem>>, vector<1x1024xi32>
          tpu.vector_store %arg8[%swap3A_692, %swap3A_693], %broadcast_in_dim3A_691 {strides = array<i32>} : memref<16x1024xi32, #tpu.memory_space<vmem>>, vector<1x1024xi32>,
        } else {
        }
        %get3A_545 = arith.constant 3 : index
        %get3A_546 = memref.load %arg12[%get3A_545] : memref<16xi32, #tpu.memory_space<smem>>
        %eq3A_547 = arith.constant 1 : i32
        %eq3A_548 = arith.cmpi eq, %get3A_546, %eq3A_547 : i32
        %convert_element_type3A_549 = arith.extui %eq3A_548 : i1 to i32
        %cond3A_550 = arith.constant 0 : i32
        %cond3A_551 = arith.cmpi ne, %convert_element_type3A_549, %cond3A_550 : i32
        scf.if %cond3A_551 {
          %get3A_662 = arith.constant 384 : index
          %get3A_663 = arith.constant 0 : index
          %get3A_664 = vector.load %arg4[%get3A_662, %get3A_663] : memref<2048x1024xf32, #tpu.memory_space<vmem>>, vector<128x1024xf32>
          %slice3A_665 = vector.extract_strided_slice %get3A_396 {offsets = [3, 0], sizes = [1, 1024], strides = [1, 1]} : vector<16x1024xi32> to vector<1x1024xi32>
          %eq3A_666 = vector.broadcast %slice3A_665 : vector<1x1024xi32> to vector<128x1024xi32>
          %eq3A_667 = arith.cmpi eq, %iota3A_1, %eq3A_666 : vector<128x1024xi32>
          %slice3A_668 = vector.extract_strided_slice %get3A_393 {offsets = [3, 0], sizes = [1, 1024], strides = [1, 1]} : vector<16x1024xi32> to vector<1x1024xi32>
          %eq3A_669 = arith.constant 1 : i32
          %eq3A_670 = vector.broadcast %eq3A_669 : i32 to vector<1x1024xi32>
          %eq3A_671 = arith.cmpi eq, %slice3A_668, %eq3A_670 : vector<1x1024xi32>
          %and3A = vector.broadcast %eq3A_671 : vector<1x1024xi1> to vector<128x1024xi1>
          %and3A_672 = arith.andi %eq3A_667, %and3A : vector<128x1024xi1>
          %jit3A_673 = arith.constant 0xFF800000 : f32
          %broadcast_in_dim3A_674 = vector.broadcast %jit3A_673 : f32 to vector<128x1024xf32>
          %select_n3A_675 = arith.select %and3A_672, %broadcast_in_dim3A_674, %get3A_664 : vector<128x1024xi1>, vector<128x1024xf32>
          %swap3A_676 = arith.constant 384 : index
          %swap3A_677 = arith.constant 0 : index
          %swap3A_678 = vector.load %arg4[%swap3A_676, %swap3A_677] : memref<2048x1024xf32, #tpu.memory_space<vmem>>, vector<128x1024xf32>
          tpu.vector_store %arg4[%swap3A_676, %swap3A_677], %select_n3A_675 {strides = array<i32>} : memref<2048x1024xf32, #tpu.memory_space<vmem>>, vector<128x1024xf32>,
          %reduce_max3A_679 = arith.constant dense<0xFF800000> : vector<1024xf32>
          %reduce_max3A_680 = vector.multi_reduction <maximumf>, %select_n3A_675, %reduce_max3A_679 [0] : vector<128x1024xf32> to vector<1024xf32>
          %broadcast_in_dim3A_681 = vector.shape_cast %reduce_max3A_680 : vector<1024xf32> to vector<1x1024xf32>
          %swap3A_682 = arith.constant 3 : index
          %swap3A_683 = arith.constant 0 : index
          %swap3A_684 = vector.load %arg7[%swap3A_682, %swap3A_683] : memref<16x1024xf32, #tpu.memory_space<vmem>>, vector<1x1024xf32>
          tpu.vector_store %arg7[%swap3A_682, %swap3A_683], %broadcast_in_dim3A_681 {strides = array<i32>} : memref<16x1024xf32, #tpu.memory_space<vmem>>, vector<1x1024xf32>,
          %eq3A_685 = vector.broadcast %broadcast_in_dim3A_681 : vector<1x1024xf32> to vector<128x1024xf32>
          %eq3A_686 = arith.cmpf oeq, %select_n3A_675, %eq3A_685 : vector<128x1024xf32>
          %broadcast_in_dim3A_687 = vector.broadcast %scan3A : i32 to vector<128x1024xi32>
          %select_n3A_688 = arith.select %eq3A_686, %iota3A_1, %broadcast_in_dim3A_687 : vector<128x1024xi1>, vector<128x1024xi32>
          %reduce_min3A_689 = arith.constant dense<2147483647> : vector<1024xi32>
          %reduce_min3A_690 = vector.multi_reduction <minsi>, %select_n3A_688, %reduce_min3A_689 [0] : vector<128x1024xi32> to vector<1024xi32>
          %broadcast_in_dim3A_691 = vector.shape_cast %reduce_min3A_690 : vector<1024xi32> to vector<1x1024xi32>
          %swap3A_692 = arith.constant 3 : index
          %swap3A_693 = arith.constant 0 : index
          %swap3A_694 = vector.load %arg8[%swap3A_692, %swap3A_693] : memref<16x1024xi32, #tpu.memory_space<vmem>>, vector<1x1024xi32>
          tpu.vector_store %arg8[%swap3A_692, %swap3A_693], %broadcast_in_dim3A_691 {strides = array<i32>} : memref<16x1024xi32, #tpu.memory_space<vmem>>, vector<1x1024xi32>,
        } else {
        }
        %get3A_552 = arith.constant 4 : index
        %get3A_553 = memref.load %arg12[%get3A_552] : memref<16xi32, #tpu.memory_space<smem>>
        %eq3A_554 = arith.constant 1 : i32
        %eq3A_555 = arith.cmpi eq, %get3A_553, %eq3A_554 : i32
        %convert_element_type3A_556 = arith.extui %eq3A_555 : i1 to i32
        %cond3A_557 = arith.constant 0 : i32
        %cond3A_558 = arith.cmpi ne, %convert_element_type3A_556, %cond3A_557 : i32
        scf.if %cond3A_558 {
          %get3A_662 = arith.constant 512 : index
          %get3A_663 = arith.constant 0 : index
          %get3A_664 = vector.load %arg4[%get3A_662, %get3A_663] : memref<2048x1024xf32, #tpu.memory_space<vmem>>, vector<128x1024xf32>
          %slice3A_665 = vector.extract_strided_slice %get3A_396 {offsets = [4, 0], sizes = [1, 1024], strides = [1, 1]} : vector<16x1024xi32> to vector<1x1024xi32>
          %eq3A_666 = vector.broadcast %slice3A_665 : vector<1x1024xi32> to vector<128x1024xi32>
          %eq3A_667 = arith.cmpi eq, %iota3A_1, %eq3A_666 : vector<128x1024xi32>
          %slice3A_668 = vector.extract_strided_slice %get3A_393 {offsets = [4, 0], sizes = [1, 1024], strides = [1, 1]} : vector<16x1024xi32> to vector<1x1024xi32>
          %eq3A_669 = arith.constant 1 : i32
          %eq3A_670 = vector.broadcast %eq3A_669 : i32 to vector<1x1024xi32>
          %eq3A_671 = arith.cmpi eq, %slice3A_668, %eq3A_670 : vector<1x1024xi32>
          %and3A = vector.broadcast %eq3A_671 : vector<1x1024xi1> to vector<128x1024xi1>
          %and3A_672 = arith.andi %eq3A_667, %and3A : vector<128x1024xi1>
          %jit3A_673 = arith.constant 0xFF800000 : f32
          %broadcast_in_dim3A_674 = vector.broadcast %jit3A_673 : f32 to vector<128x1024xf32>
          %select_n3A_675 = arith.select %and3A_672, %broadcast_in_dim3A_674, %get3A_664 : vector<128x1024xi1>, vector<128x1024xf32>
          %swap3A_676 = arith.constant 512 : index
          %swap3A_677 = arith.constant 0 : index
          %swap3A_678 = vector.load %arg4[%swap3A_676, %swap3A_677] : memref<2048x1024xf32, #tpu.memory_space<vmem>>, vector<128x1024xf32>
          tpu.vector_store %arg4[%swap3A_676, %swap3A_677], %select_n3A_675 {strides = array<i32>} : memref<2048x1024xf32, #tpu.memory_space<vmem>>, vector<128x1024xf32>,
          %reduce_max3A_679 = arith.constant dense<0xFF800000> : vector<1024xf32>
          %reduce_max3A_680 = vector.multi_reduction <maximumf>, %select_n3A_675, %reduce_max3A_679 [0] : vector<128x1024xf32> to vector<1024xf32>
          %broadcast_in_dim3A_681 = vector.shape_cast %reduce_max3A_680 : vector<1024xf32> to vector<1x1024xf32>
          %swap3A_682 = arith.constant 4 : index
          %swap3A_683 = arith.constant 0 : index
          %swap3A_684 = vector.load %arg7[%swap3A_682, %swap3A_683] : memref<16x1024xf32, #tpu.memory_space<vmem>>, vector<1x1024xf32>
          tpu.vector_store %arg7[%swap3A_682, %swap3A_683], %broadcast_in_dim3A_681 {strides = array<i32>} : memref<16x1024xf32, #tpu.memory_space<vmem>>, vector<1x1024xf32>,
          %eq3A_685 = vector.broadcast %broadcast_in_dim3A_681 : vector<1x1024xf32> to vector<128x1024xf32>
          %eq3A_686 = arith.cmpf oeq, %select_n3A_675, %eq3A_685 : vector<128x1024xf32>
          %broadcast_in_dim3A_687 = vector.broadcast %scan3A : i32 to vector<128x1024xi32>
          %select_n3A_688 = arith.select %eq3A_686, %iota3A_1, %broadcast_in_dim3A_687 : vector<128x1024xi1>, vector<128x1024xi32>
          %reduce_min3A_689 = arith.constant dense<2147483647> : vector<1024xi32>
          %reduce_min3A_690 = vector.multi_reduction <minsi>, %select_n3A_688, %reduce_min3A_689 [0] : vector<128x1024xi32> to vector<1024xi32>
          %broadcast_in_dim3A_691 = vector.shape_cast %reduce_min3A_690 : vector<1024xi32> to vector<1x1024xi32>
          %swap3A_692 = arith.constant 4 : index
          %swap3A_693 = arith.constant 0 : index
          %swap3A_694 = vector.load %arg8[%swap3A_692, %swap3A_693] : memref<16x1024xi32, #tpu.memory_space<vmem>>, vector<1x1024xi32>
          tpu.vector_store %arg8[%swap3A_692, %swap3A_693], %broadcast_in_dim3A_691 {strides = array<i32>} : memref<16x1024xi32, #tpu.memory_space<vmem>>, vector<1x1024xi32>,
        } else {
        }
        %get3A_559 = arith.constant 5 : index
        %get3A_560 = memref.load %arg12[%get3A_559] : memref<16xi32, #tpu.memory_space<smem>>
        %eq3A_561 = arith.constant 1 : i32
        %eq3A_562 = arith.cmpi eq, %get3A_560, %eq3A_561 : i32
        %convert_element_type3A_563 = arith.extui %eq3A_562 : i1 to i32
        %cond3A_564 = arith.constant 0 : i32
        %cond3A_565 = arith.cmpi ne, %convert_element_type3A_563, %cond3A_564 : i32
        scf.if %cond3A_565 {
          %get3A_662 = arith.constant 640 : index
          %get3A_663 = arith.constant 0 : index
          %get3A_664 = vector.load %arg4[%get3A_662, %get3A_663] : memref<2048x1024xf32, #tpu.memory_space<vmem>>, vector<128x1024xf32>
          %slice3A_665 = vector.extract_strided_slice %get3A_396 {offsets = [5, 0], sizes = [1, 1024], strides = [1, 1]} : vector<16x1024xi32> to vector<1x1024xi32>
          %eq3A_666 = vector.broadcast %slice3A_665 : vector<1x1024xi32> to vector<128x1024xi32>
          %eq3A_667 = arith.cmpi eq, %iota3A_1, %eq3A_666 : vector<128x1024xi32>
          %slice3A_668 = vector.extract_strided_slice %get3A_393 {offsets = [5, 0], sizes = [1, 1024], strides = [1, 1]} : vector<16x1024xi32> to vector<1x1024xi32>
          %eq3A_669 = arith.constant 1 : i32
          %eq3A_670 = vector.broadcast %eq3A_669 : i32 to vector<1x1024xi32>
          %eq3A_671 = arith.cmpi eq, %slice3A_668, %eq3A_670 : vector<1x1024xi32>
          %and3A = vector.broadcast %eq3A_671 : vector<1x1024xi1> to vector<128x1024xi1>
          %and3A_672 = arith.andi %eq3A_667, %and3A : vector<128x1024xi1>
          %jit3A_673 = arith.constant 0xFF800000 : f32
          %broadcast_in_dim3A_674 = vector.broadcast %jit3A_673 : f32 to vector<128x1024xf32>
          %select_n3A_675 = arith.select %and3A_672, %broadcast_in_dim3A_674, %get3A_664 : vector<128x1024xi1>, vector<128x1024xf32>
          %swap3A_676 = arith.constant 640 : index
          %swap3A_677 = arith.constant 0 : index
          %swap3A_678 = vector.load %arg4[%swap3A_676, %swap3A_677] : memref<2048x1024xf32, #tpu.memory_space<vmem>>, vector<128x1024xf32>
          tpu.vector_store %arg4[%swap3A_676, %swap3A_677], %select_n3A_675 {strides = array<i32>} : memref<2048x1024xf32, #tpu.memory_space<vmem>>, vector<128x1024xf32>,
          %reduce_max3A_679 = arith.constant dense<0xFF800000> : vector<1024xf32>
          %reduce_max3A_680 = vector.multi_reduction <maximumf>, %select_n3A_675, %reduce_max3A_679 [0] : vector<128x1024xf32> to vector<1024xf32>
          %broadcast_in_dim3A_681 = vector.shape_cast %reduce_max3A_680 : vector<1024xf32> to vector<1x1024xf32>
          %swap3A_682 = arith.constant 5 : index
          %swap3A_683 = arith.constant 0 : index
          %swap3A_684 = vector.load %arg7[%swap3A_682, %swap3A_683] : memref<16x1024xf32, #tpu.memory_space<vmem>>, vector<1x1024xf32>
          tpu.vector_store %arg7[%swap3A_682, %swap3A_683], %broadcast_in_dim3A_681 {strides = array<i32>} : memref<16x1024xf32, #tpu.memory_space<vmem>>, vector<1x1024xf32>,
          %eq3A_685 = vector.broadcast %broadcast_in_dim3A_681 : vector<1x1024xf32> to vector<128x1024xf32>
          %eq3A_686 = arith.cmpf oeq, %select_n3A_675, %eq3A_685 : vector<128x1024xf32>
          %broadcast_in_dim3A_687 = vector.broadcast %scan3A : i32 to vector<128x1024xi32>
          %select_n3A_688 = arith.select %eq3A_686, %iota3A_1, %broadcast_in_dim3A_687 : vector<128x1024xi1>, vector<128x1024xi32>
          %reduce_min3A_689 = arith.constant dense<2147483647> : vector<1024xi32>
          %reduce_min3A_690 = vector.multi_reduction <minsi>, %select_n3A_688, %reduce_min3A_689 [0] : vector<128x1024xi32> to vector<1024xi32>
          %broadcast_in_dim3A_691 = vector.shape_cast %reduce_min3A_690 : vector<1024xi32> to vector<1x1024xi32>
          %swap3A_692 = arith.constant 5 : index
          %swap3A_693 = arith.constant 0 : index
          %swap3A_694 = vector.load %arg8[%swap3A_692, %swap3A_693] : memref<16x1024xi32, #tpu.memory_space<vmem>>, vector<1x1024xi32>
          tpu.vector_store %arg8[%swap3A_692, %swap3A_693], %broadcast_in_dim3A_691 {strides = array<i32>} : memref<16x1024xi32, #tpu.memory_space<vmem>>, vector<1x1024xi32>,
        } else {
        }
        %get3A_566 = arith.constant 6 : index
        %get3A_567 = memref.load %arg12[%get3A_566] : memref<16xi32, #tpu.memory_space<smem>>
        %eq3A_568 = arith.constant 1 : i32
        %eq3A_569 = arith.cmpi eq, %get3A_567, %eq3A_568 : i32
        %convert_element_type3A_570 = arith.extui %eq3A_569 : i1 to i32
        %cond3A_571 = arith.constant 0 : i32
        %cond3A_572 = arith.cmpi ne, %convert_element_type3A_570, %cond3A_571 : i32
        scf.if %cond3A_572 {
          %get3A_662 = arith.constant 768 : index
          %get3A_663 = arith.constant 0 : index
          %get3A_664 = vector.load %arg4[%get3A_662, %get3A_663] : memref<2048x1024xf32, #tpu.memory_space<vmem>>, vector<128x1024xf32>
          %slice3A_665 = vector.extract_strided_slice %get3A_396 {offsets = [6, 0], sizes = [1, 1024], strides = [1, 1]} : vector<16x1024xi32> to vector<1x1024xi32>
          %eq3A_666 = vector.broadcast %slice3A_665 : vector<1x1024xi32> to vector<128x1024xi32>
          %eq3A_667 = arith.cmpi eq, %iota3A_1, %eq3A_666 : vector<128x1024xi32>
          %slice3A_668 = vector.extract_strided_slice %get3A_393 {offsets = [6, 0], sizes = [1, 1024], strides = [1, 1]} : vector<16x1024xi32> to vector<1x1024xi32>
          %eq3A_669 = arith.constant 1 : i32
          %eq3A_670 = vector.broadcast %eq3A_669 : i32 to vector<1x1024xi32>
          %eq3A_671 = arith.cmpi eq, %slice3A_668, %eq3A_670 : vector<1x1024xi32>
          %and3A = vector.broadcast %eq3A_671 : vector<1x1024xi1> to vector<128x1024xi1>
          %and3A_672 = arith.andi %eq3A_667, %and3A : vector<128x1024xi1>
          %jit3A_673 = arith.constant 0xFF800000 : f32
          %broadcast_in_dim3A_674 = vector.broadcast %jit3A_673 : f32 to vector<128x1024xf32>
          %select_n3A_675 = arith.select %and3A_672, %broadcast_in_dim3A_674, %get3A_664 : vector<128x1024xi1>, vector<128x1024xf32>
          %swap3A_676 = arith.constant 768 : index
          %swap3A_677 = arith.constant 0 : index
          %swap3A_678 = vector.load %arg4[%swap3A_676, %swap3A_677] : memref<2048x1024xf32, #tpu.memory_space<vmem>>, vector<128x1024xf32>
          tpu.vector_store %arg4[%swap3A_676, %swap3A_677], %select_n3A_675 {strides = array<i32>} : memref<2048x1024xf32, #tpu.memory_space<vmem>>, vector<128x1024xf32>,
          %reduce_max3A_679 = arith.constant dense<0xFF800000> : vector<1024xf32>
          %reduce_max3A_680 = vector.multi_reduction <maximumf>, %select_n3A_675, %reduce_max3A_679 [0] : vector<128x1024xf32> to vector<1024xf32>
          %broadcast_in_dim3A_681 = vector.shape_cast %reduce_max3A_680 : vector<1024xf32> to vector<1x1024xf32>
          %swap3A_682 = arith.constant 6 : index
          %swap3A_683 = arith.constant 0 : index
          %swap3A_684 = vector.load %arg7[%swap3A_682, %swap3A_683] : memref<16x1024xf32, #tpu.memory_space<vmem>>, vector<1x1024xf32>
          tpu.vector_store %arg7[%swap3A_682, %swap3A_683], %broadcast_in_dim3A_681 {strides = array<i32>} : memref<16x1024xf32, #tpu.memory_space<vmem>>, vector<1x1024xf32>,
          %eq3A_685 = vector.broadcast %broadcast_in_dim3A_681 : vector<1x1024xf32> to vector<128x1024xf32>
          %eq3A_686 = arith.cmpf oeq, %select_n3A_675, %eq3A_685 : vector<128x1024xf32>
          %broadcast_in_dim3A_687 = vector.broadcast %scan3A : i32 to vector<128x1024xi32>
          %select_n3A_688 = arith.select %eq3A_686, %iota3A_1, %broadcast_in_dim3A_687 : vector<128x1024xi1>, vector<128x1024xi32>
          %reduce_min3A_689 = arith.constant dense<2147483647> : vector<1024xi32>
          %reduce_min3A_690 = vector.multi_reduction <minsi>, %select_n3A_688, %reduce_min3A_689 [0] : vector<128x1024xi32> to vector<1024xi32>
          %broadcast_in_dim3A_691 = vector.shape_cast %reduce_min3A_690 : vector<1024xi32> to vector<1x1024xi32>
          %swap3A_692 = arith.constant 6 : index
          %swap3A_693 = arith.constant 0 : index
          %swap3A_694 = vector.load %arg8[%swap3A_692, %swap3A_693] : memref<16x1024xi32, #tpu.memory_space<vmem>>, vector<1x1024xi32>
          tpu.vector_store %arg8[%swap3A_692, %swap3A_693], %broadcast_in_dim3A_691 {strides = array<i32>} : memref<16x1024xi32, #tpu.memory_space<vmem>>, vector<1x1024xi32>,
        } else {
        }
        %get3A_573 = arith.constant 7 : index
        %get3A_574 = memref.load %arg12[%get3A_573] : memref<16xi32, #tpu.memory_space<smem>>
        %eq3A_575 = arith.constant 1 : i32
        %eq3A_576 = arith.cmpi eq, %get3A_574, %eq3A_575 : i32
        %convert_element_type3A_577 = arith.extui %eq3A_576 : i1 to i32
        %cond3A_578 = arith.constant 0 : i32
        %cond3A_579 = arith.cmpi ne, %convert_element_type3A_577, %cond3A_578 : i32
        scf.if %cond3A_579 {
          %get3A_662 = arith.constant 896 : index
          %get3A_663 = arith.constant 0 : index
          %get3A_664 = vector.load %arg4[%get3A_662, %get3A_663] : memref<2048x1024xf32, #tpu.memory_space<vmem>>, vector<128x1024xf32>
          %slice3A_665 = vector.extract_strided_slice %get3A_396 {offsets = [7, 0], sizes = [1, 1024], strides = [1, 1]} : vector<16x1024xi32> to vector<1x1024xi32>
          %eq3A_666 = vector.broadcast %slice3A_665 : vector<1x1024xi32> to vector<128x1024xi32>
          %eq3A_667 = arith.cmpi eq, %iota3A_1, %eq3A_666 : vector<128x1024xi32>
          %slice3A_668 = vector.extract_strided_slice %get3A_393 {offsets = [7, 0], sizes = [1, 1024], strides = [1, 1]} : vector<16x1024xi32> to vector<1x1024xi32>
          %eq3A_669 = arith.constant 1 : i32
          %eq3A_670 = vector.broadcast %eq3A_669 : i32 to vector<1x1024xi32>
          %eq3A_671 = arith.cmpi eq, %slice3A_668, %eq3A_670 : vector<1x1024xi32>
          %and3A = vector.broadcast %eq3A_671 : vector<1x1024xi1> to vector<128x1024xi1>
          %and3A_672 = arith.andi %eq3A_667, %and3A : vector<128x1024xi1>
          %jit3A_673 = arith.constant 0xFF800000 : f32
          %broadcast_in_dim3A_674 = vector.broadcast %jit3A_673 : f32 to vector<128x1024xf32>
          %select_n3A_675 = arith.select %and3A_672, %broadcast_in_dim3A_674, %get3A_664 : vector<128x1024xi1>, vector<128x1024xf32>
          %swap3A_676 = arith.constant 896 : index
          %swap3A_677 = arith.constant 0 : index
          %swap3A_678 = vector.load %arg4[%swap3A_676, %swap3A_677] : memref<2048x1024xf32, #tpu.memory_space<vmem>>, vector<128x1024xf32>
          tpu.vector_store %arg4[%swap3A_676, %swap3A_677], %select_n3A_675 {strides = array<i32>} : memref<2048x1024xf32, #tpu.memory_space<vmem>>, vector<128x1024xf32>,
          %reduce_max3A_679 = arith.constant dense<0xFF800000> : vector<1024xf32>
          %reduce_max3A_680 = vector.multi_reduction <maximumf>, %select_n3A_675, %reduce_max3A_679 [0] : vector<128x1024xf32> to vector<1024xf32>
          %broadcast_in_dim3A_681 = vector.shape_cast %reduce_max3A_680 : vector<1024xf32> to vector<1x1024xf32>
          %swap3A_682 = arith.constant 7 : index
          %swap3A_683 = arith.constant 0 : index
          %swap3A_684 = vector.load %arg7[%swap3A_682, %swap3A_683] : memref<16x1024xf32, #tpu.memory_space<vmem>>, vector<1x1024xf32>
          tpu.vector_store %arg7[%swap3A_682, %swap3A_683], %broadcast_in_dim3A_681 {strides = array<i32>} : memref<16x1024xf32, #tpu.memory_space<vmem>>, vector<1x1024xf32>,
          %eq3A_685 = vector.broadcast %broadcast_in_dim3A_681 : vector<1x1024xf32> to vector<128x1024xf32>
          %eq3A_686 = arith.cmpf oeq, %select_n3A_675, %eq3A_685 : vector<128x1024xf32>
          %broadcast_in_dim3A_687 = vector.broadcast %scan3A : i32 to vector<128x1024xi32>
          %select_n3A_688 = arith.select %eq3A_686, %iota3A_1, %broadcast_in_dim3A_687 : vector<128x1024xi1>, vector<128x1024xi32>
          %reduce_min3A_689 = arith.constant dense<2147483647> : vector<1024xi32>
          %reduce_min3A_690 = vector.multi_reduction <minsi>, %select_n3A_688, %reduce_min3A_689 [0] : vector<128x1024xi32> to vector<1024xi32>
          %broadcast_in_dim3A_691 = vector.shape_cast %reduce_min3A_690 : vector<1024xi32> to vector<1x1024xi32>
          %swap3A_692 = arith.constant 7 : index
          %swap3A_693 = arith.constant 0 : index
          %swap3A_694 = vector.load %arg8[%swap3A_692, %swap3A_693] : memref<16x1024xi32, #tpu.memory_space<vmem>>, vector<1x1024xi32>
          tpu.vector_store %arg8[%swap3A_692, %swap3A_693], %broadcast_in_dim3A_691 {strides = array<i32>} : memref<16x1024xi32, #tpu.memory_space<vmem>>, vector<1x1024xi32>,
        } else {
        }
        %get3A_580 = arith.constant 8 : index
        %get3A_581 = memref.load %arg12[%get3A_580] : memref<16xi32, #tpu.memory_space<smem>>
        %eq3A_582 = arith.constant 1 : i32
        %eq3A_583 = arith.cmpi eq, %get3A_581, %eq3A_582 : i32
        %convert_element_type3A_584 = arith.extui %eq3A_583 : i1 to i32
        %cond3A_585 = arith.constant 0 : i32
        %cond3A_586 = arith.cmpi ne, %convert_element_type3A_584, %cond3A_585 : i32
        scf.if %cond3A_586 {
          %get3A_662 = arith.constant 1024 : index
          %get3A_663 = arith.constant 0 : index
          %get3A_664 = vector.load %arg4[%get3A_662, %get3A_663] : memref<2048x1024xf32, #tpu.memory_space<vmem>>, vector<128x1024xf32>
          %slice3A_665 = vector.extract_strided_slice %get3A_396 {offsets = [8, 0], sizes = [1, 1024], strides = [1, 1]} : vector<16x1024xi32> to vector<1x1024xi32>
          %eq3A_666 = vector.broadcast %slice3A_665 : vector<1x1024xi32> to vector<128x1024xi32>
          %eq3A_667 = arith.cmpi eq, %iota3A_1, %eq3A_666 : vector<128x1024xi32>
          %slice3A_668 = vector.extract_strided_slice %get3A_393 {offsets = [8, 0], sizes = [1, 1024], strides = [1, 1]} : vector<16x1024xi32> to vector<1x1024xi32>
          %eq3A_669 = arith.constant 1 : i32
          %eq3A_670 = vector.broadcast %eq3A_669 : i32 to vector<1x1024xi32>
          %eq3A_671 = arith.cmpi eq, %slice3A_668, %eq3A_670 : vector<1x1024xi32>
          %and3A = vector.broadcast %eq3A_671 : vector<1x1024xi1> to vector<128x1024xi1>
          %and3A_672 = arith.andi %eq3A_667, %and3A : vector<128x1024xi1>
          %jit3A_673 = arith.constant 0xFF800000 : f32
          %broadcast_in_dim3A_674 = vector.broadcast %jit3A_673 : f32 to vector<128x1024xf32>
          %select_n3A_675 = arith.select %and3A_672, %broadcast_in_dim3A_674, %get3A_664 : vector<128x1024xi1>, vector<128x1024xf32>
          %swap3A_676 = arith.constant 1024 : index
          %swap3A_677 = arith.constant 0 : index
          %swap3A_678 = vector.load %arg4[%swap3A_676, %swap3A_677] : memref<2048x1024xf32, #tpu.memory_space<vmem>>, vector<128x1024xf32>
          tpu.vector_store %arg4[%swap3A_676, %swap3A_677], %select_n3A_675 {strides = array<i32>} : memref<2048x1024xf32, #tpu.memory_space<vmem>>, vector<128x1024xf32>,
          %reduce_max3A_679 = arith.constant dense<0xFF800000> : vector<1024xf32>
          %reduce_max3A_680 = vector.multi_reduction <maximumf>, %select_n3A_675, %reduce_max3A_679 [0] : vector<128x1024xf32> to vector<1024xf32>
          %broadcast_in_dim3A_681 = vector.shape_cast %reduce_max3A_680 : vector<1024xf32> to vector<1x1024xf32>
          %swap3A_682 = arith.constant 8 : index
          %swap3A_683 = arith.constant 0 : index
          %swap3A_684 = vector.load %arg7[%swap3A_682, %swap3A_683] : memref<16x1024xf32, #tpu.memory_space<vmem>>, vector<1x1024xf32>
          tpu.vector_store %arg7[%swap3A_682, %swap3A_683], %broadcast_in_dim3A_681 {strides = array<i32>} : memref<16x1024xf32, #tpu.memory_space<vmem>>, vector<1x1024xf32>,
          %eq3A_685 = vector.broadcast %broadcast_in_dim3A_681 : vector<1x1024xf32> to vector<128x1024xf32>
          %eq3A_686 = arith.cmpf oeq, %select_n3A_675, %eq3A_685 : vector<128x1024xf32>
          %broadcast_in_dim3A_687 = vector.broadcast %scan3A : i32 to vector<128x1024xi32>
          %select_n3A_688 = arith.select %eq3A_686, %iota3A_1, %broadcast_in_dim3A_687 : vector<128x1024xi1>, vector<128x1024xi32>
          %reduce_min3A_689 = arith.constant dense<2147483647> : vector<1024xi32>
          %reduce_min3A_690 = vector.multi_reduction <minsi>, %select_n3A_688, %reduce_min3A_689 [0] : vector<128x1024xi32> to vector<1024xi32>
          %broadcast_in_dim3A_691 = vector.shape_cast %reduce_min3A_690 : vector<1024xi32> to vector<1x1024xi32>
          %swap3A_692 = arith.constant 8 : index
          %swap3A_693 = arith.constant 0 : index
          %swap3A_694 = vector.load %arg8[%swap3A_692, %swap3A_693] : memref<16x1024xi32, #tpu.memory_space<vmem>>, vector<1x1024xi32>
          tpu.vector_store %arg8[%swap3A_692, %swap3A_693], %broadcast_in_dim3A_691 {strides = array<i32>} : memref<16x1024xi32, #tpu.memory_space<vmem>>, vector<1x1024xi32>,
        } else {
        }
        %get3A_587 = arith.constant 9 : index
        %get3A_588 = memref.load %arg12[%get3A_587] : memref<16xi32, #tpu.memory_space<smem>>
        %eq3A_589 = arith.constant 1 : i32
        %eq3A_590 = arith.cmpi eq, %get3A_588, %eq3A_589 : i32
        %convert_element_type3A_591 = arith.extui %eq3A_590 : i1 to i32
        %cond3A_592 = arith.constant 0 : i32
        %cond3A_593 = arith.cmpi ne, %convert_element_type3A_591, %cond3A_592 : i32
        scf.if %cond3A_593 {
          %get3A_662 = arith.constant 1152 : index
          %get3A_663 = arith.constant 0 : index
          %get3A_664 = vector.load %arg4[%get3A_662, %get3A_663] : memref<2048x1024xf32, #tpu.memory_space<vmem>>, vector<128x1024xf32>
          %slice3A_665 = vector.extract_strided_slice %get3A_396 {offsets = [9, 0], sizes = [1, 1024], strides = [1, 1]} : vector<16x1024xi32> to vector<1x1024xi32>
          %eq3A_666 = vector.broadcast %slice3A_665 : vector<1x1024xi32> to vector<128x1024xi32>
          %eq3A_667 = arith.cmpi eq, %iota3A_1, %eq3A_666 : vector<128x1024xi32>
          %slice3A_668 = vector.extract_strided_slice %get3A_393 {offsets = [9, 0], sizes = [1, 1024], strides = [1, 1]} : vector<16x1024xi32> to vector<1x1024xi32>
          %eq3A_669 = arith.constant 1 : i32
          %eq3A_670 = vector.broadcast %eq3A_669 : i32 to vector<1x1024xi32>
          %eq3A_671 = arith.cmpi eq, %slice3A_668, %eq3A_670 : vector<1x1024xi32>
          %and3A = vector.broadcast %eq3A_671 : vector<1x1024xi1> to vector<128x1024xi1>
          %and3A_672 = arith.andi %eq3A_667, %and3A : vector<128x1024xi1>
          %jit3A_673 = arith.constant 0xFF800000 : f32
          %broadcast_in_dim3A_674 = vector.broadcast %jit3A_673 : f32 to vector<128x1024xf32>
          %select_n3A_675 = arith.select %and3A_672, %broadcast_in_dim3A_674, %get3A_664 : vector<128x1024xi1>, vector<128x1024xf32>
          %swap3A_676 = arith.constant 1152 : index
          %swap3A_677 = arith.constant 0 : index
          %swap3A_678 = vector.load %arg4[%swap3A_676, %swap3A_677] : memref<2048x1024xf32, #tpu.memory_space<vmem>>, vector<128x1024xf32>
          tpu.vector_store %arg4[%swap3A_676, %swap3A_677], %select_n3A_675 {strides = array<i32>} : memref<2048x1024xf32, #tpu.memory_space<vmem>>, vector<128x1024xf32>,
          %reduce_max3A_679 = arith.constant dense<0xFF800000> : vector<1024xf32>
          %reduce_max3A_680 = vector.multi_reduction <maximumf>, %select_n3A_675, %reduce_max3A_679 [0] : vector<128x1024xf32> to vector<1024xf32>
          %broadcast_in_dim3A_681 = vector.shape_cast %reduce_max3A_680 : vector<1024xf32> to vector<1x1024xf32>
          %swap3A_682 = arith.constant 9 : index
          %swap3A_683 = arith.constant 0 : index
          %swap3A_684 = vector.load %arg7[%swap3A_682, %swap3A_683] : memref<16x1024xf32, #tpu.memory_space<vmem>>, vector<1x1024xf32>
          tpu.vector_store %arg7[%swap3A_682, %swap3A_683], %broadcast_in_dim3A_681 {strides = array<i32>} : memref<16x1024xf32, #tpu.memory_space<vmem>>, vector<1x1024xf32>,
          %eq3A_685 = vector.broadcast %broadcast_in_dim3A_681 : vector<1x1024xf32> to vector<128x1024xf32>
          %eq3A_686 = arith.cmpf oeq, %select_n3A_675, %eq3A_685 : vector<128x1024xf32>
          %broadcast_in_dim3A_687 = vector.broadcast %scan3A : i32 to vector<128x1024xi32>
          %select_n3A_688 = arith.select %eq3A_686, %iota3A_1, %broadcast_in_dim3A_687 : vector<128x1024xi1>, vector<128x1024xi32>
          %reduce_min3A_689 = arith.constant dense<2147483647> : vector<1024xi32>
          %reduce_min3A_690 = vector.multi_reduction <minsi>, %select_n3A_688, %reduce_min3A_689 [0] : vector<128x1024xi32> to vector<1024xi32>
          %broadcast_in_dim3A_691 = vector.shape_cast %reduce_min3A_690 : vector<1024xi32> to vector<1x1024xi32>
          %swap3A_692 = arith.constant 9 : index
          %swap3A_693 = arith.constant 0 : index
          %swap3A_694 = vector.load %arg8[%swap3A_692, %swap3A_693] : memref<16x1024xi32, #tpu.memory_space<vmem>>, vector<1x1024xi32>
          tpu.vector_store %arg8[%swap3A_692, %swap3A_693], %broadcast_in_dim3A_691 {strides = array<i32>} : memref<16x1024xi32, #tpu.memory_space<vmem>>, vector<1x1024xi32>,
        } else {
        }
        %get3A_594 = arith.constant 10 : index
        %get3A_595 = memref.load %arg12[%get3A_594] : memref<16xi32, #tpu.memory_space<smem>>
        %eq3A_596 = arith.constant 1 : i32
        %eq3A_597 = arith.cmpi eq, %get3A_595, %eq3A_596 : i32
        %convert_element_type3A_598 = arith.extui %eq3A_597 : i1 to i32
        %cond3A_599 = arith.constant 0 : i32
        %cond3A_600 = arith.cmpi ne, %convert_element_type3A_598, %cond3A_599 : i32
        scf.if %cond3A_600 {
          %get3A_662 = arith.constant 1280 : index
          %get3A_663 = arith.constant 0 : index
          %get3A_664 = vector.load %arg4[%get3A_662, %get3A_663] : memref<2048x1024xf32, #tpu.memory_space<vmem>>, vector<128x1024xf32>
          %slice3A_665 = vector.extract_strided_slice %get3A_396 {offsets = [10, 0], sizes = [1, 1024], strides = [1, 1]} : vector<16x1024xi32> to vector<1x1024xi32>
          %eq3A_666 = vector.broadcast %slice3A_665 : vector<1x1024xi32> to vector<128x1024xi32>
          %eq3A_667 = arith.cmpi eq, %iota3A_1, %eq3A_666 : vector<128x1024xi32>
          %slice3A_668 = vector.extract_strided_slice %get3A_393 {offsets = [10, 0], sizes = [1, 1024], strides = [1, 1]} : vector<16x1024xi32> to vector<1x1024xi32>
          %eq3A_669 = arith.constant 1 : i32
          %eq3A_670 = vector.broadcast %eq3A_669 : i32 to vector<1x1024xi32>
          %eq3A_671 = arith.cmpi eq, %slice3A_668, %eq3A_670 : vector<1x1024xi32>
          %and3A = vector.broadcast %eq3A_671 : vector<1x1024xi1> to vector<128x1024xi1>
          %and3A_672 = arith.andi %eq3A_667, %and3A : vector<128x1024xi1>
          %jit3A_673 = arith.constant 0xFF800000 : f32
          %broadcast_in_dim3A_674 = vector.broadcast %jit3A_673 : f32 to vector<128x1024xf32>
          %select_n3A_675 = arith.select %and3A_672, %broadcast_in_dim3A_674, %get3A_664 : vector<128x1024xi1>, vector<128x1024xf32>
          %swap3A_676 = arith.constant 1280 : index
          %swap3A_677 = arith.constant 0 : index
          %swap3A_678 = vector.load %arg4[%swap3A_676, %swap3A_677] : memref<2048x1024xf32, #tpu.memory_space<vmem>>, vector<128x1024xf32>
          tpu.vector_store %arg4[%swap3A_676, %swap3A_677], %select_n3A_675 {strides = array<i32>} : memref<2048x1024xf32, #tpu.memory_space<vmem>>, vector<128x1024xf32>,
          %reduce_max3A_679 = arith.constant dense<0xFF800000> : vector<1024xf32>
          %reduce_max3A_680 = vector.multi_reduction <maximumf>, %select_n3A_675, %reduce_max3A_679 [0] : vector<128x1024xf32> to vector<1024xf32>
          %broadcast_in_dim3A_681 = vector.shape_cast %reduce_max3A_680 : vector<1024xf32> to vector<1x1024xf32>
          %swap3A_682 = arith.constant 10 : index
          %swap3A_683 = arith.constant 0 : index
          %swap3A_684 = vector.load %arg7[%swap3A_682, %swap3A_683] : memref<16x1024xf32, #tpu.memory_space<vmem>>, vector<1x1024xf32>
          tpu.vector_store %arg7[%swap3A_682, %swap3A_683], %broadcast_in_dim3A_681 {strides = array<i32>} : memref<16x1024xf32, #tpu.memory_space<vmem>>, vector<1x1024xf32>,
          %eq3A_685 = vector.broadcast %broadcast_in_dim3A_681 : vector<1x1024xf32> to vector<128x1024xf32>
          %eq3A_686 = arith.cmpf oeq, %select_n3A_675, %eq3A_685 : vector<128x1024xf32>
          %broadcast_in_dim3A_687 = vector.broadcast %scan3A : i32 to vector<128x1024xi32>
          %select_n3A_688 = arith.select %eq3A_686, %iota3A_1, %broadcast_in_dim3A_687 : vector<128x1024xi1>, vector<128x1024xi32>
          %reduce_min3A_689 = arith.constant dense<2147483647> : vector<1024xi32>
          %reduce_min3A_690 = vector.multi_reduction <minsi>, %select_n3A_688, %reduce_min3A_689 [0] : vector<128x1024xi32> to vector<1024xi32>
          %broadcast_in_dim3A_691 = vector.shape_cast %reduce_min3A_690 : vector<1024xi32> to vector<1x1024xi32>
          %swap3A_692 = arith.constant 10 : index
          %swap3A_693 = arith.constant 0 : index
          %swap3A_694 = vector.load %arg8[%swap3A_692, %swap3A_693] : memref<16x1024xi32, #tpu.memory_space<vmem>>, vector<1x1024xi32>
          tpu.vector_store %arg8[%swap3A_692, %swap3A_693], %broadcast_in_dim3A_691 {strides = array<i32>} : memref<16x1024xi32, #tpu.memory_space<vmem>>, vector<1x1024xi32>,
        } else {
        }
        %get3A_601 = arith.constant 11 : index
        %get3A_602 = memref.load %arg12[%get3A_601] : memref<16xi32, #tpu.memory_space<smem>>
        %eq3A_603 = arith.constant 1 : i32
        %eq3A_604 = arith.cmpi eq, %get3A_602, %eq3A_603 : i32
        %convert_element_type3A_605 = arith.extui %eq3A_604 : i1 to i32
        %cond3A_606 = arith.constant 0 : i32
        %cond3A_607 = arith.cmpi ne, %convert_element_type3A_605, %cond3A_606 : i32
        scf.if %cond3A_607 {
          %get3A_662 = arith.constant 1408 : index
          %get3A_663 = arith.constant 0 : index
          %get3A_664 = vector.load %arg4[%get3A_662, %get3A_663] : memref<2048x1024xf32, #tpu.memory_space<vmem>>, vector<128x1024xf32>
          %slice3A_665 = vector.extract_strided_slice %get3A_396 {offsets = [11, 0], sizes = [1, 1024], strides = [1, 1]} : vector<16x1024xi32> to vector<1x1024xi32>
          %eq3A_666 = vector.broadcast %slice3A_665 : vector<1x1024xi32> to vector<128x1024xi32>
          %eq3A_667 = arith.cmpi eq, %iota3A_1, %eq3A_666 : vector<128x1024xi32>
          %slice3A_668 = vector.extract_strided_slice %get3A_393 {offsets = [11, 0], sizes = [1, 1024], strides = [1, 1]} : vector<16x1024xi32> to vector<1x1024xi32>
          %eq3A_669 = arith.constant 1 : i32
          %eq3A_670 = vector.broadcast %eq3A_669 : i32 to vector<1x1024xi32>
          %eq3A_671 = arith.cmpi eq, %slice3A_668, %eq3A_670 : vector<1x1024xi32>
          %and3A = vector.broadcast %eq3A_671 : vector<1x1024xi1> to vector<128x1024xi1>
          %and3A_672 = arith.andi %eq3A_667, %and3A : vector<128x1024xi1>
          %jit3A_673 = arith.constant 0xFF800000 : f32
          %broadcast_in_dim3A_674 = vector.broadcast %jit3A_673 : f32 to vector<128x1024xf32>
          %select_n3A_675 = arith.select %and3A_672, %broadcast_in_dim3A_674, %get3A_664 : vector<128x1024xi1>, vector<128x1024xf32>
          %swap3A_676 = arith.constant 1408 : index
          %swap3A_677 = arith.constant 0 : index
          %swap3A_678 = vector.load %arg4[%swap3A_676, %swap3A_677] : memref<2048x1024xf32, #tpu.memory_space<vmem>>, vector<128x1024xf32>
          tpu.vector_store %arg4[%swap3A_676, %swap3A_677], %select_n3A_675 {strides = array<i32>} : memref<2048x1024xf32, #tpu.memory_space<vmem>>, vector<128x1024xf32>,
          %reduce_max3A_679 = arith.constant dense<0xFF800000> : vector<1024xf32>
          %reduce_max3A_680 = vector.multi_reduction <maximumf>, %select_n3A_675, %reduce_max3A_679 [0] : vector<128x1024xf32> to vector<1024xf32>
          %broadcast_in_dim3A_681 = vector.shape_cast %reduce_max3A_680 : vector<1024xf32> to vector<1x1024xf32>
          %swap3A_682 = arith.constant 11 : index
          %swap3A_683 = arith.constant 0 : index
          %swap3A_684 = vector.load %arg7[%swap3A_682, %swap3A_683] : memref<16x1024xf32, #tpu.memory_space<vmem>>, vector<1x1024xf32>
          tpu.vector_store %arg7[%swap3A_682, %swap3A_683], %broadcast_in_dim3A_681 {strides = array<i32>} : memref<16x1024xf32, #tpu.memory_space<vmem>>, vector<1x1024xf32>,
          %eq3A_685 = vector.broadcast %broadcast_in_dim3A_681 : vector<1x1024xf32> to vector<128x1024xf32>
          %eq3A_686 = arith.cmpf oeq, %select_n3A_675, %eq3A_685 : vector<128x1024xf32>
          %broadcast_in_dim3A_687 = vector.broadcast %scan3A : i32 to vector<128x1024xi32>
          %select_n3A_688 = arith.select %eq3A_686, %iota3A_1, %broadcast_in_dim3A_687 : vector<128x1024xi1>, vector<128x1024xi32>
          %reduce_min3A_689 = arith.constant dense<2147483647> : vector<1024xi32>
          %reduce_min3A_690 = vector.multi_reduction <minsi>, %select_n3A_688, %reduce_min3A_689 [0] : vector<128x1024xi32> to vector<1024xi32>
          %broadcast_in_dim3A_691 = vector.shape_cast %reduce_min3A_690 : vector<1024xi32> to vector<1x1024xi32>
          %swap3A_692 = arith.constant 11 : index
          %swap3A_693 = arith.constant 0 : index
          %swap3A_694 = vector.load %arg8[%swap3A_692, %swap3A_693] : memref<16x1024xi32, #tpu.memory_space<vmem>>, vector<1x1024xi32>
          tpu.vector_store %arg8[%swap3A_692, %swap3A_693], %broadcast_in_dim3A_691 {strides = array<i32>} : memref<16x1024xi32, #tpu.memory_space<vmem>>, vector<1x1024xi32>,
        } else {
        }
        %get3A_608 = arith.constant 12 : index
        %get3A_609 = memref.load %arg12[%get3A_608] : memref<16xi32, #tpu.memory_space<smem>>
        %eq3A_610 = arith.constant 1 : i32
        %eq3A_611 = arith.cmpi eq, %get3A_609, %eq3A_610 : i32
        %convert_element_type3A_612 = arith.extui %eq3A_611 : i1 to i32
        %cond3A_613 = arith.constant 0 : i32
        %cond3A_614 = arith.cmpi ne, %convert_element_type3A_612, %cond3A_613 : i32
        scf.if %cond3A_614 {
          %get3A_662 = arith.constant 1536 : index
          %get3A_663 = arith.constant 0 : index
          %get3A_664 = vector.load %arg4[%get3A_662, %get3A_663] : memref<2048x1024xf32, #tpu.memory_space<vmem>>, vector<128x1024xf32>
          %slice3A_665 = vector.extract_strided_slice %get3A_396 {offsets = [12, 0], sizes = [1, 1024], strides = [1, 1]} : vector<16x1024xi32> to vector<1x1024xi32>
          %eq3A_666 = vector.broadcast %slice3A_665 : vector<1x1024xi32> to vector<128x1024xi32>
          %eq3A_667 = arith.cmpi eq, %iota3A_1, %eq3A_666 : vector<128x1024xi32>
          %slice3A_668 = vector.extract_strided_slice %get3A_393 {offsets = [12, 0], sizes = [1, 1024], strides = [1, 1]} : vector<16x1024xi32> to vector<1x1024xi32>
          %eq3A_669 = arith.constant 1 : i32
          %eq3A_670 = vector.broadcast %eq3A_669 : i32 to vector<1x1024xi32>
          %eq3A_671 = arith.cmpi eq, %slice3A_668, %eq3A_670 : vector<1x1024xi32>
          %and3A = vector.broadcast %eq3A_671 : vector<1x1024xi1> to vector<128x1024xi1>
          %and3A_672 = arith.andi %eq3A_667, %and3A : vector<128x1024xi1>
          %jit3A_673 = arith.constant 0xFF800000 : f32
          %broadcast_in_dim3A_674 = vector.broadcast %jit3A_673 : f32 to vector<128x1024xf32>
          %select_n3A_675 = arith.select %and3A_672, %broadcast_in_dim3A_674, %get3A_664 : vector<128x1024xi1>, vector<128x1024xf32>
          %swap3A_676 = arith.constant 1536 : index
          %swap3A_677 = arith.constant 0 : index
          %swap3A_678 = vector.load %arg4[%swap3A_676, %swap3A_677] : memref<2048x1024xf32, #tpu.memory_space<vmem>>, vector<128x1024xf32>
          tpu.vector_store %arg4[%swap3A_676, %swap3A_677], %select_n3A_675 {strides = array<i32>} : memref<2048x1024xf32, #tpu.memory_space<vmem>>, vector<128x1024xf32>,
          %reduce_max3A_679 = arith.constant dense<0xFF800000> : vector<1024xf32>
          %reduce_max3A_680 = vector.multi_reduction <maximumf>, %select_n3A_675, %reduce_max3A_679 [0] : vector<128x1024xf32> to vector<1024xf32>
          %broadcast_in_dim3A_681 = vector.shape_cast %reduce_max3A_680 : vector<1024xf32> to vector<1x1024xf32>
          %swap3A_682 = arith.constant 12 : index
          %swap3A_683 = arith.constant 0 : index
          %swap3A_684 = vector.load %arg7[%swap3A_682, %swap3A_683] : memref<16x1024xf32, #tpu.memory_space<vmem>>, vector<1x1024xf32>
          tpu.vector_store %arg7[%swap3A_682, %swap3A_683], %broadcast_in_dim3A_681 {strides = array<i32>} : memref<16x1024xf32, #tpu.memory_space<vmem>>, vector<1x1024xf32>,
          %eq3A_685 = vector.broadcast %broadcast_in_dim3A_681 : vector<1x1024xf32> to vector<128x1024xf32>
          %eq3A_686 = arith.cmpf oeq, %select_n3A_675, %eq3A_685 : vector<128x1024xf32>
          %broadcast_in_dim3A_687 = vector.broadcast %scan3A : i32 to vector<128x1024xi32>
          %select_n3A_688 = arith.select %eq3A_686, %iota3A_1, %broadcast_in_dim3A_687 : vector<128x1024xi1>, vector<128x1024xi32>
          %reduce_min3A_689 = arith.constant dense<2147483647> : vector<1024xi32>
          %reduce_min3A_690 = vector.multi_reduction <minsi>, %select_n3A_688, %reduce_min3A_689 [0] : vector<128x1024xi32> to vector<1024xi32>
          %broadcast_in_dim3A_691 = vector.shape_cast %reduce_min3A_690 : vector<1024xi32> to vector<1x1024xi32>
          %swap3A_692 = arith.constant 12 : index
          %swap3A_693 = arith.constant 0 : index
          %swap3A_694 = vector.load %arg8[%swap3A_692, %swap3A_693] : memref<16x1024xi32, #tpu.memory_space<vmem>>, vector<1x1024xi32>
          tpu.vector_store %arg8[%swap3A_692, %swap3A_693], %broadcast_in_dim3A_691 {strides = array<i32>} : memref<16x1024xi32, #tpu.memory_space<vmem>>, vector<1x1024xi32>,
        } else {
        }
        %get3A_615 = arith.constant 13 : index
        %get3A_616 = memref.load %arg12[%get3A_615] : memref<16xi32, #tpu.memory_space<smem>>
        %eq3A_617 = arith.constant 1 : i32
        %eq3A_618 = arith.cmpi eq, %get3A_616, %eq3A_617 : i32
        %convert_element_type3A_619 = arith.extui %eq3A_618 : i1 to i32
        %cond3A_620 = arith.constant 0 : i32
        %cond3A_621 = arith.cmpi ne, %convert_element_type3A_619, %cond3A_620 : i32
        scf.if %cond3A_621 {
          %get3A_662 = arith.constant 1664 : index
          %get3A_663 = arith.constant 0 : index
          %get3A_664 = vector.load %arg4[%get3A_662, %get3A_663] : memref<2048x1024xf32, #tpu.memory_space<vmem>>, vector<128x1024xf32>
          %slice3A_665 = vector.extract_strided_slice %get3A_396 {offsets = [13, 0], sizes = [1, 1024], strides = [1, 1]} : vector<16x1024xi32> to vector<1x1024xi32>
          %eq3A_666 = vector.broadcast %slice3A_665 : vector<1x1024xi32> to vector<128x1024xi32>
          %eq3A_667 = arith.cmpi eq, %iota3A_1, %eq3A_666 : vector<128x1024xi32>
          %slice3A_668 = vector.extract_strided_slice %get3A_393 {offsets = [13, 0], sizes = [1, 1024], strides = [1, 1]} : vector<16x1024xi32> to vector<1x1024xi32>
          %eq3A_669 = arith.constant 1 : i32
          %eq3A_670 = vector.broadcast %eq3A_669 : i32 to vector<1x1024xi32>
          %eq3A_671 = arith.cmpi eq, %slice3A_668, %eq3A_670 : vector<1x1024xi32>
          %and3A = vector.broadcast %eq3A_671 : vector<1x1024xi1> to vector<128x1024xi1>
          %and3A_672 = arith.andi %eq3A_667, %and3A : vector<128x1024xi1>
          %jit3A_673 = arith.constant 0xFF800000 : f32
          %broadcast_in_dim3A_674 = vector.broadcast %jit3A_673 : f32 to vector<128x1024xf32>
          %select_n3A_675 = arith.select %and3A_672, %broadcast_in_dim3A_674, %get3A_664 : vector<128x1024xi1>, vector<128x1024xf32>
          %swap3A_676 = arith.constant 1664 : index
          %swap3A_677 = arith.constant 0 : index
          %swap3A_678 = vector.load %arg4[%swap3A_676, %swap3A_677] : memref<2048x1024xf32, #tpu.memory_space<vmem>>, vector<128x1024xf32>
          tpu.vector_store %arg4[%swap3A_676, %swap3A_677], %select_n3A_675 {strides = array<i32>} : memref<2048x1024xf32, #tpu.memory_space<vmem>>, vector<128x1024xf32>,
          %reduce_max3A_679 = arith.constant dense<0xFF800000> : vector<1024xf32>
          %reduce_max3A_680 = vector.multi_reduction <maximumf>, %select_n3A_675, %reduce_max3A_679 [0] : vector<128x1024xf32> to vector<1024xf32>
          %broadcast_in_dim3A_681 = vector.shape_cast %reduce_max3A_680 : vector<1024xf32> to vector<1x1024xf32>
          %swap3A_682 = arith.constant 13 : index
          %swap3A_683 = arith.constant 0 : index
          %swap3A_684 = vector.load %arg7[%swap3A_682, %swap3A_683] : memref<16x1024xf32, #tpu.memory_space<vmem>>, vector<1x1024xf32>
          tpu.vector_store %arg7[%swap3A_682, %swap3A_683], %broadcast_in_dim3A_681 {strides = array<i32>} : memref<16x1024xf32, #tpu.memory_space<vmem>>, vector<1x1024xf32>,
          %eq3A_685 = vector.broadcast %broadcast_in_dim3A_681 : vector<1x1024xf32> to vector<128x1024xf32>
          %eq3A_686 = arith.cmpf oeq, %select_n3A_675, %eq3A_685 : vector<128x1024xf32>
          %broadcast_in_dim3A_687 = vector.broadcast %scan3A : i32 to vector<128x1024xi32>
          %select_n3A_688 = arith.select %eq3A_686, %iota3A_1, %broadcast_in_dim3A_687 : vector<128x1024xi1>, vector<128x1024xi32>
          %reduce_min3A_689 = arith.constant dense<2147483647> : vector<1024xi32>
          %reduce_min3A_690 = vector.multi_reduction <minsi>, %select_n3A_688, %reduce_min3A_689 [0] : vector<128x1024xi32> to vector<1024xi32>
          %broadcast_in_dim3A_691 = vector.shape_cast %reduce_min3A_690 : vector<1024xi32> to vector<1x1024xi32>
          %swap3A_692 = arith.constant 13 : index
          %swap3A_693 = arith.constant 0 : index
          %swap3A_694 = vector.load %arg8[%swap3A_692, %swap3A_693] : memref<16x1024xi32, #tpu.memory_space<vmem>>, vector<1x1024xi32>
          tpu.vector_store %arg8[%swap3A_692, %swap3A_693], %broadcast_in_dim3A_691 {strides = array<i32>} : memref<16x1024xi32, #tpu.memory_space<vmem>>, vector<1x1024xi32>,
        } else {
        }
        %get3A_622 = arith.constant 14 : index
        %get3A_623 = memref.load %arg12[%get3A_622] : memref<16xi32, #tpu.memory_space<smem>>
        %eq3A_624 = arith.constant 1 : i32
        %eq3A_625 = arith.cmpi eq, %get3A_623, %eq3A_624 : i32
        %convert_element_type3A_626 = arith.extui %eq3A_625 : i1 to i32
        %cond3A_627 = arith.constant 0 : i32
        %cond3A_628 = arith.cmpi ne, %convert_element_type3A_626, %cond3A_627 : i32
        scf.if %cond3A_628 {
          %get3A_662 = arith.constant 1792 : index
          %get3A_663 = arith.constant 0 : index
          %get3A_664 = vector.load %arg4[%get3A_662, %get3A_663] : memref<2048x1024xf32, #tpu.memory_space<vmem>>, vector<128x1024xf32>
          %slice3A_665 = vector.extract_strided_slice %get3A_396 {offsets = [14, 0], sizes = [1, 1024], strides = [1, 1]} : vector<16x1024xi32> to vector<1x1024xi32>
          %eq3A_666 = vector.broadcast %slice3A_665 : vector<1x1024xi32> to vector<128x1024xi32>
          %eq3A_667 = arith.cmpi eq, %iota3A_1, %eq3A_666 : vector<128x1024xi32>
          %slice3A_668 = vector.extract_strided_slice %get3A_393 {offsets = [14, 0], sizes = [1, 1024], strides = [1, 1]} : vector<16x1024xi32> to vector<1x1024xi32>
          %eq3A_669 = arith.constant 1 : i32
          %eq3A_670 = vector.broadcast %eq3A_669 : i32 to vector<1x1024xi32>
          %eq3A_671 = arith.cmpi eq, %slice3A_668, %eq3A_670 : vector<1x1024xi32>
          %and3A = vector.broadcast %eq3A_671 : vector<1x1024xi1> to vector<128x1024xi1>
          %and3A_672 = arith.andi %eq3A_667, %and3A : vector<128x1024xi1>
          %jit3A_673 = arith.constant 0xFF800000 : f32
          %broadcast_in_dim3A_674 = vector.broadcast %jit3A_673 : f32 to vector<128x1024xf32>
          %select_n3A_675 = arith.select %and3A_672, %broadcast_in_dim3A_674, %get3A_664 : vector<128x1024xi1>, vector<128x1024xf32>
          %swap3A_676 = arith.constant 1792 : index
          %swap3A_677 = arith.constant 0 : index
          %swap3A_678 = vector.load %arg4[%swap3A_676, %swap3A_677] : memref<2048x1024xf32, #tpu.memory_space<vmem>>, vector<128x1024xf32>
          tpu.vector_store %arg4[%swap3A_676, %swap3A_677], %select_n3A_675 {strides = array<i32>} : memref<2048x1024xf32, #tpu.memory_space<vmem>>, vector<128x1024xf32>,
          %reduce_max3A_679 = arith.constant dense<0xFF800000> : vector<1024xf32>
          %reduce_max3A_680 = vector.multi_reduction <maximumf>, %select_n3A_675, %reduce_max3A_679 [0] : vector<128x1024xf32> to vector<1024xf32>
          %broadcast_in_dim3A_681 = vector.shape_cast %reduce_max3A_680 : vector<1024xf32> to vector<1x1024xf32>
          %swap3A_682 = arith.constant 14 : index
          %swap3A_683 = arith.constant 0 : index
          %swap3A_684 = vector.load %arg7[%swap3A_682, %swap3A_683] : memref<16x1024xf32, #tpu.memory_space<vmem>>, vector<1x1024xf32>
          tpu.vector_store %arg7[%swap3A_682, %swap3A_683], %broadcast_in_dim3A_681 {strides = array<i32>} : memref<16x1024xf32, #tpu.memory_space<vmem>>, vector<1x1024xf32>,
          %eq3A_685 = vector.broadcast %broadcast_in_dim3A_681 : vector<1x1024xf32> to vector<128x1024xf32>
          %eq3A_686 = arith.cmpf oeq, %select_n3A_675, %eq3A_685 : vector<128x1024xf32>
          %broadcast_in_dim3A_687 = vector.broadcast %scan3A : i32 to vector<128x1024xi32>
          %select_n3A_688 = arith.select %eq3A_686, %iota3A_1, %broadcast_in_dim3A_687 : vector<128x1024xi1>, vector<128x1024xi32>
          %reduce_min3A_689 = arith.constant dense<2147483647> : vector<1024xi32>
          %reduce_min3A_690 = vector.multi_reduction <minsi>, %select_n3A_688, %reduce_min3A_689 [0] : vector<128x1024xi32> to vector<1024xi32>
          %broadcast_in_dim3A_691 = vector.shape_cast %reduce_min3A_690 : vector<1024xi32> to vector<1x1024xi32>
          %swap3A_692 = arith.constant 14 : index
          %swap3A_693 = arith.constant 0 : index
          %swap3A_694 = vector.load %arg8[%swap3A_692, %swap3A_693] : memref<16x1024xi32, #tpu.memory_space<vmem>>, vector<1x1024xi32>
          tpu.vector_store %arg8[%swap3A_692, %swap3A_693], %broadcast_in_dim3A_691 {strides = array<i32>} : memref<16x1024xi32, #tpu.memory_space<vmem>>, vector<1x1024xi32>,
        } else {
        }
        %get3A_629 = arith.constant 15 : index
        %get3A_630 = memref.load %arg12[%get3A_629] : memref<16xi32, #tpu.memory_space<smem>>
        %eq3A_631 = arith.constant 1 : i32
        %eq3A_632 = arith.cmpi eq, %get3A_630, %eq3A_631 : i32
        %convert_element_type3A_633 = arith.extui %eq3A_632 : i1 to i32
        %cond3A_634 = arith.constant 0 : i32
        %cond3A_635 = arith.cmpi ne, %convert_element_type3A_633, %cond3A_634 : i32
        scf.if %cond3A_635 {
          %get3A_662 = arith.constant 1920 : index
          %get3A_663 = arith.constant 0 : index
          %get3A_664 = vector.load %arg4[%get3A_662, %get3A_663] : memref<2048x1024xf32, #tpu.memory_space<vmem>>, vector<128x1024xf32>
          %slice3A_665 = vector.extract_strided_slice %get3A_396 {offsets = [15, 0], sizes = [1, 1024], strides = [1, 1]} : vector<16x1024xi32> to vector<1x1024xi32>
          %eq3A_666 = vector.broadcast %slice3A_665 : vector<1x1024xi32> to vector<128x1024xi32>
          %eq3A_667 = arith.cmpi eq, %iota3A_1, %eq3A_666 : vector<128x1024xi32>
          %slice3A_668 = vector.extract_strided_slice %get3A_393 {offsets = [15, 0], sizes = [1, 1024], strides = [1, 1]} : vector<16x1024xi32> to vector<1x1024xi32>
          %eq3A_669 = arith.constant 1 : i32
          %eq3A_670 = vector.broadcast %eq3A_669 : i32 to vector<1x1024xi32>
          %eq3A_671 = arith.cmpi eq, %slice3A_668, %eq3A_670 : vector<1x1024xi32>
          %and3A = vector.broadcast %eq3A_671 : vector<1x1024xi1> to vector<128x1024xi1>
          %and3A_672 = arith.andi %eq3A_667, %and3A : vector<128x1024xi1>
          %jit3A_673 = arith.constant 0xFF800000 : f32
          %broadcast_in_dim3A_674 = vector.broadcast %jit3A_673 : f32 to vector<128x1024xf32>
          %select_n3A_675 = arith.select %and3A_672, %broadcast_in_dim3A_674, %get3A_664 : vector<128x1024xi1>, vector<128x1024xf32>
          %swap3A_676 = arith.constant 1920 : index
          %swap3A_677 = arith.constant 0 : index
          %swap3A_678 = vector.load %arg4[%swap3A_676, %swap3A_677] : memref<2048x1024xf32, #tpu.memory_space<vmem>>, vector<128x1024xf32>
          tpu.vector_store %arg4[%swap3A_676, %swap3A_677], %select_n3A_675 {strides = array<i32>} : memref<2048x1024xf32, #tpu.memory_space<vmem>>, vector<128x1024xf32>,
          %reduce_max3A_679 = arith.constant dense<0xFF800000> : vector<1024xf32>
          %reduce_max3A_680 = vector.multi_reduction <maximumf>, %select_n3A_675, %reduce_max3A_679 [0] : vector<128x1024xf32> to vector<1024xf32>
          %broadcast_in_dim3A_681 = vector.shape_cast %reduce_max3A_680 : vector<1024xf32> to vector<1x1024xf32>
          %swap3A_682 = arith.constant 15 : index
          %swap3A_683 = arith.constant 0 : index
          %swap3A_684 = vector.load %arg7[%swap3A_682, %swap3A_683] : memref<16x1024xf32, #tpu.memory_space<vmem>>, vector<1x1024xf32>
          tpu.vector_store %arg7[%swap3A_682, %swap3A_683], %broadcast_in_dim3A_681 {strides = array<i32>} : memref<16x1024xf32, #tpu.memory_space<vmem>>, vector<1x1024xf32>,
          %eq3A_685 = vector.broadcast %broadcast_in_dim3A_681 : vector<1x1024xf32> to vector<128x1024xf32>
          %eq3A_686 = arith.cmpf oeq, %select_n3A_675, %eq3A_685 : vector<128x1024xf32>
          %broadcast_in_dim3A_687 = vector.broadcast %scan3A : i32 to vector<128x1024xi32>
          %select_n3A_688 = arith.select %eq3A_686, %iota3A_1, %broadcast_in_dim3A_687 : vector<128x1024xi1>, vector<128x1024xi32>
          %reduce_min3A_689 = arith.constant dense<2147483647> : vector<1024xi32>
          %reduce_min3A_690 = vector.multi_reduction <minsi>, %select_n3A_688, %reduce_min3A_689 [0] : vector<128x1024xi32> to vector<1024xi32>
          %broadcast_in_dim3A_691 = vector.shape_cast %reduce_min3A_690 : vector<1024xi32> to vector<1x1024xi32>
          %swap3A_692 = arith.constant 15 : index
          %swap3A_693 = arith.constant 0 : index
          %swap3A_694 = vector.load %arg8[%swap3A_692, %swap3A_693] : memref<16x1024xi32, #tpu.memory_space<vmem>>, vector<1x1024xi32>
          tpu.vector_store %arg8[%swap3A_692, %swap3A_693], %broadcast_in_dim3A_691 {strides = array<i32>} : memref<16x1024xi32, #tpu.memory_space<vmem>>, vector<1x1024xi32>,
        } else {
        }
        %get3A_636 = arith.constant 0 : index
        %get3A_637 = arith.constant 0 : index
        %get3A_638 = vector.load %arg5[%get3A_636, %get3A_637] : memref<32x1024xf32, #tpu.memory_space<vmem>>, vector<32x1024xf32>
        %reduce_min3A_639 = arith.constant dense<0x7F800000> : vector<1024xf32>
        %reduce_min3A_640 = vector.multi_reduction <minimumf>, %get3A_638, %reduce_min3A_639 [0] : vector<32x1024xf32> to vector<1024xf32>
        %broadcast_in_dim3A_641 = vector.shape_cast %reduce_min3A_640 : vector<1024xf32> to vector<1x1024xf32>
        %get3A_642 = arith.constant 0 : index
        %get3A_643 = arith.constant 0 : index
        %get3A_644 = vector.load %arg7[%get3A_642, %get3A_643] : memref<16x1024xf32, #tpu.memory_space<vmem>>, vector<16x1024xf32>
        %gt3A_645 = vector.broadcast %broadcast_in_dim3A_641 : vector<1x1024xf32> to vector<16x1024xf32>
        %gt3A_646 = arith.cmpf ogt, %get3A_644, %gt3A_645 : vector<16x1024xf32>
        %reduce_or3A_647 = arith.constant 1.000000e+00 : f32
        %reduce_or3A_648 = arith.constant 0.000000e+00 : f32
        %reduce_or3A_649 = vector.broadcast %reduce_or3A_647 : f32 to vector<16x1024xf32>
        %reduce_or3A_650 = vector.broadcast %reduce_or3A_648 : f32 to vector<16x1024xf32>
        %reduce_or3A_651 = arith.select %gt3A_646, %reduce_or3A_649, %reduce_or3A_650 : vector<16x1024xi1>, vector<16x1024xf32>
        %reduce_or3A_652 = vector.shape_cast %reduce_or3A_651 : vector<16x1024xf32> to vector<1x16x1024xf32>
        %reduce_or3A_653 = arith.constant dense<0xFF800000> : vector<1xf32>
        %reduce_or3A_654 = vector.multi_reduction <maximumf>, %reduce_or3A_652, %reduce_or3A_653 [1, 2] : vector<1x16x1024xf32> to vector<1xf32>
        %reduce_or3A_655 = vector.shape_cast %reduce_or3A_654 : vector<1xf32> to vector<1x1x1xf32>
        %reduce_or3A_656 = vector.extract %reduce_or3A_655[0, 0, 0] : f32 from vector<1x1x1xf32>
        %reduce_or3A_657 = arith.constant 0.000000e+00 : f32
        %reduce_or3A_658 = arith.cmpf ogt, %reduce_or3A_656, %reduce_or3A_657 : f32
        %convert_element_type3A_659 = arith.extui %reduce_or3A_658 : i1 to i32
        %swap3A_660 = arith.constant 0 : index
        %swap3A_661 = memref.load %arg10[%swap3A_660] : memref<1xi32, #tpu.memory_space<smem>>
        memref.store %convert_element_type3A_659, %arg10[%swap3A_660] : memref<1xi32, #tpu.memory_space<smem>>
      } else {
      }
    }
    %eq3A_366 = arith.constant 48 : i32
    %eq3A_367 = arith.cmpi eq, %arg0, %eq3A_366 : i32
    %convert_element_type3A_368 = arith.extui %eq3A_367 : i1 to i32
    %cond3A_369 = arith.constant 0 : i32
    %cond3A_370 = arith.cmpi ne, %convert_element_type3A_368, %cond3A_369 : i32
    scf.if %cond3A_370 {
      %get3A_371 = arith.constant 0 : index
      %get3A_372 = arith.constant 0 : index
      %get3A_373 = vector.load %arg6[%get3A_371, %get3A_372] : memref<32x1024xi32, #tpu.memory_space<vmem>>, vector<32x1024xi32>
      %swap3A_374 = arith.constant 0 : index
      %swap3A_375 = arith.constant 0 : index
      %swap3A_376 = vector.load %arg3[%swap3A_374, %swap3A_375] : memref<32x1024xi32, #tpu.memory_space<vmem>>, vector<32x1024xi32>
      tpu.vector_store %arg3[%swap3A_374, %swap3A_375], %get3A_373 {strides = array<i32>} : memref<32x1024xi32, #tpu.memory_space<vmem>>, vector<32x1024xi32>,
    } else {
    }
    return
  }
  func.func @transform_0(%arg0: i32) -> (i32, i32) {
    %c0_i32 = arith.constant 0 : i32
    %c0_i32_0 = arith.constant 0 : i32
    %c0_i32_1 = arith.constant 0 : i32
    return %c0_i32, %c0_i32_0 : i32, i32
  }
  func.func @transform_1(%arg0: i32) -> (i32, i32) {
    %c0_i32 = arith.constant 0 : i32
    %c0_i32_0 = arith.constant 0 : i32
    return %arg0, %c0_i32 : i32, i32
  }
  func.func @transform_2(%arg0: i32) -> (i32, i32) {
    %c0_i32 = arith.constant 0 : i32
    %c0_i32_0 = arith.constant 0 : i32
    %c0_i32_1 = arith.constant 0 : i32
    return %c0_i32, %c0_i32_0 : i32, i32
  }
}

module attributes {stable_mosaic.version = 14 : i64} {
  func.func @_attn_body(%arg0: i32, %arg1: memref<256x64xf32, #tpu.memory_space<vmem>>, %arg2: memref<5120x64xf32, #tpu.memory_space<vmem>>, %arg3: memref<64x64xf32, #tpu.memory_space<vmem>>, %arg4: memref<64x64xf32, #tpu.memory_space<vmem>>, %arg5: memref<64x64xf32, #tpu.memory_space<vmem>>, %arg6: memref<64x64xf32, #tpu.memory_space<vmem>>, %arg7: memref<64x97xf32, #tpu.memory_space<vmem>>, %arg8: memref<1x97xf32, #tpu.memory_space<vmem>>, %arg9: memref<64x300xf32, #tpu.memory_space<vmem>>, %arg10: memref<1x300xf32, #tpu.memory_space<vmem>>, %arg11: memref<1x20xf32, #tpu.memory_space<vmem>>, %arg12: memref<256x64xf32, #tpu.memory_space<vmem>>, %arg13: memref<256x97xf32, #tpu.memory_space<vmem>>, %arg14: memref<256x300xf32, #tpu.memory_space<vmem>>) attributes {dimension_semantics = [#tpu.dimension_semantics<arbitrary>], iteration_bounds = array<i64: 4>, scalar_prefetch = 0 : i64, scratch_operands = 0 : i64, tpu.core_type = #tpu.core_type<tc>, window_params = [{transform_indices = @transform_0, window_bounds = array<i64: 256, 64>}, {transform_indices = @transform_1, window_bounds = array<i64: 5120, 64>}, {pipeline_mode = #tpu.pipeline_mode<synchronous>, transform_indices = @transform_2, window_bounds = array<i64: 64, 64>}, {pipeline_mode = #tpu.pipeline_mode<synchronous>, transform_indices = @transform_3, window_bounds = array<i64: 64, 64>}, {pipeline_mode = #tpu.pipeline_mode<synchronous>, transform_indices = @transform_4, window_bounds = array<i64: 64, 64>}, {pipeline_mode = #tpu.pipeline_mode<synchronous>, transform_indices = @transform_5, window_bounds = array<i64: 64, 64>}, {pipeline_mode = #tpu.pipeline_mode<synchronous>, transform_indices = @transform_6, window_bounds = array<i64: 64, 97>}, {pipeline_mode = #tpu.pipeline_mode<synchronous>, transform_indices = @transform_7, window_bounds = array<i64: 1, 97>}, {pipeline_mode = #tpu.pipeline_mode<synchronous>, transform_indices = @transform_8, window_bounds = array<i64: 64, 300>}, {pipeline_mode = #tpu.pipeline_mode<synchronous>, transform_indices = @transform_9, window_bounds = array<i64: 1, 300>}, {pipeline_mode = #tpu.pipeline_mode<synchronous>, transform_indices = @transform_10, window_bounds = array<i64: 1, 20>}, {transform_indices = @transform_11, window_bounds = array<i64: 256, 64>}, {transform_indices = @transform_12, window_bounds = array<i64: 256, 97>}, {transform_indices = @transform_13, window_bounds = array<i64: 256, 300>}]} {
    %get3A = arith.constant 0 : index
    %get3A_0 = arith.constant 0 : index
    %get3A_1 = vector.load %arg1[%get3A, %get3A_0] : memref<256x64xf32, #tpu.memory_space<vmem>>, vector<256x64xf32>
    %get3A_2 = arith.constant 0 : index
    %get3A_3 = arith.constant 0 : index
    %get3A_4 = vector.load %arg2[%get3A_2, %get3A_3] : memref<5120x64xf32, #tpu.memory_space<vmem>>, vector<5120x64xf32>
    %get3A_5 = arith.constant 0 : index
    %get3A_6 = arith.constant 0 : index
    %get3A_7 = vector.load %arg3[%get3A_5, %get3A_6] : memref<64x64xf32, #tpu.memory_space<vmem>>, vector<64x64xf32>
    %dot_general3A = arith.constant dense<0.000000e+00> : vector<256x64xf32>
    %dot_general3A_8 = tpu.matmul %get3A_1, %get3A_7, %dot_general3A {dimension_numbers = #tpu.dot_dimension_numbers<[1], [0], [0], [1], [0, 0, 1, 1], [], []>, transpose_lhs_hint = false} : vector<256x64xf32>, vector<64x64xf32>, vector<256x64xf32> -> vector<256x64xf32>
    %get3A_9 = arith.constant 0 : index
    %get3A_10 = arith.constant 0 : index
    %get3A_11 = vector.load %arg4[%get3A_9, %get3A_10] : memref<64x64xf32, #tpu.memory_space<vmem>>, vector<64x64xf32>
    %dot_general3A_12 = arith.constant dense<0.000000e+00> : vector<5120x64xf32>
    %dot_general3A_13 = tpu.matmul %get3A_4, %get3A_11, %dot_general3A_12 {dimension_numbers = #tpu.dot_dimension_numbers<[1], [0], [0], [1], [0, 0, 1, 1], [], []>, transpose_lhs_hint = false} : vector<5120x64xf32>, vector<64x64xf32>, vector<5120x64xf32> -> vector<5120x64xf32>
    %get3A_14 = arith.constant 0 : index
    %get3A_15 = arith.constant 0 : index
    %get3A_16 = vector.load %arg5[%get3A_14, %get3A_15] : memref<64x64xf32, #tpu.memory_space<vmem>>, vector<64x64xf32>
    %dot_general3A_17 = arith.constant dense<0.000000e+00> : vector<5120x64xf32>
    %dot_general3A_18 = tpu.matmul %get3A_4, %get3A_16, %dot_general3A_17 {dimension_numbers = #tpu.dot_dimension_numbers<[1], [0], [0], [1], [0, 0, 1, 1], [], []>, transpose_lhs_hint = false} : vector<5120x64xf32>, vector<64x64xf32>, vector<5120x64xf32> -> vector<5120x64xf32>
    %reshape3A = vector.shape_cast %dot_general3A_13 : vector<5120x64xf32> to vector<256x20x64xf32>
    %broadcast_in_dim3A = vector.shape_cast %dot_general3A_8 : vector<256x64xf32> to vector<256x1x64xf32>
    %mul3A = vector.broadcast %broadcast_in_dim3A : vector<256x1x64xf32> to vector<256x20x64xf32>
    %mul3A_19 = arith.mulf %mul3A, %reshape3A : vector<256x20x64xf32>
    %reduce_sum3A = arith.constant dense<0.000000e+00> : vector<256x20xf32>
    %reduce_sum3A_20 = vector.multi_reduction <add>, %mul3A_19, %reduce_sum3A [2] : vector<256x20x64xf32> to vector<256x20xf32>
    %mul3A_21 = arith.constant 1.250000e-01 : f32
    %mul3A_22 = vector.broadcast %mul3A_21 : f32 to vector<256x20xf32>
    %mul3A_23 = arith.mulf %reduce_sum3A_20, %mul3A_22 : vector<256x20xf32>
    %get3A_24 = arith.constant 0 : index
    %get3A_25 = arith.constant 0 : index
    %get3A_26 = vector.load %arg11[%get3A_24, %get3A_25] : memref<1x20xf32, #tpu.memory_space<vmem>>, vector<1x20xf32>
    %add3A = vector.broadcast %get3A_26 : vector<1x20xf32> to vector<256x20xf32>
    %add3A_27 = arith.addf %mul3A_23, %add3A : vector<256x20xf32>
    %reduce_max3A = arith.constant dense<0xFF800000> : vector<256xf32>
    %reduce_max3A_28 = vector.multi_reduction <maximumf>, %add3A_27, %reduce_max3A [1] : vector<256x20xf32> to vector<256xf32>
    %broadcast_in_dim3A_29 = vector.shape_cast %reduce_max3A_28 : vector<256xf32> to vector<256x1xf32>
    %sub3A = vector.broadcast %broadcast_in_dim3A_29 : vector<256x1xf32> to vector<256x20xf32>
    %sub3A_30 = arith.subf %add3A_27, %sub3A : vector<256x20xf32>
    %exp3A = math.exp %sub3A_30 : vector<256x20xf32>
    %reduce_sum3A_31 = arith.constant dense<0.000000e+00> : vector<256xf32>
    %reduce_sum3A_32 = vector.multi_reduction <add>, %exp3A, %reduce_sum3A_31 [1] : vector<256x20xf32> to vector<256xf32>
    %broadcast_in_dim3A_33 = vector.shape_cast %reduce_sum3A_32 : vector<256xf32> to vector<256x1xf32>
    %div3A = vector.broadcast %broadcast_in_dim3A_33 : vector<256x1xf32> to vector<256x20xf32>
    %div3A_34 = arith.divf %exp3A, %div3A : vector<256x20xf32>
    %reshape3A_35 = vector.shape_cast %dot_general3A_18 : vector<5120x64xf32> to vector<256x20x64xf32>
    %broadcast_in_dim3A_36 = vector.shape_cast %div3A_34 : vector<256x20xf32> to vector<256x20x1xf32>
    %mul3A_37 = vector.broadcast %broadcast_in_dim3A_36 : vector<256x20x1xf32> to vector<256x20x64xf32>
    %mul3A_38 = arith.mulf %mul3A_37, %reshape3A_35 : vector<256x20x64xf32>
    %reduce_sum3A_39 = arith.constant dense<0.000000e+00> : vector<256x64xf32>
    %reduce_sum3A_40 = vector.multi_reduction <add>, %mul3A_38, %reduce_sum3A_39 [1] : vector<256x20x64xf32> to vector<256x64xf32>
    %get3A_41 = arith.constant 0 : index
    %get3A_42 = arith.constant 0 : index
    %get3A_43 = vector.load %arg6[%get3A_41, %get3A_42] : memref<64x64xf32, #tpu.memory_space<vmem>>, vector<64x64xf32>
    %dot_general3A_44 = arith.constant dense<0.000000e+00> : vector<256x64xf32>
    %dot_general3A_45 = tpu.matmul %reduce_sum3A_40, %get3A_43, %dot_general3A_44 {dimension_numbers = #tpu.dot_dimension_numbers<[1], [0], [0], [1], [0, 0, 1, 1], [], []>, transpose_lhs_hint = false} : vector<256x64xf32>, vector<64x64xf32>, vector<256x64xf32> -> vector<256x64xf32>
    %add3A_46 = arith.addf %get3A_1, %dot_general3A_45 : vector<256x64xf32>
    %swap3A = arith.constant 0 : index
    %swap3A_47 = arith.constant 0 : index
    %swap3A_48 = vector.load %arg12[%swap3A, %swap3A_47] : memref<256x64xf32, #tpu.memory_space<vmem>>, vector<256x64xf32>
    tpu.vector_store %arg12[%swap3A, %swap3A_47], %add3A_46 {strides = array<i32>} : memref<256x64xf32, #tpu.memory_space<vmem>>, vector<256x64xf32>,
    %get3A_49 = arith.constant 0 : index
    %get3A_50 = arith.constant 0 : index
    %get3A_51 = vector.load %arg7[%get3A_49, %get3A_50] : memref<64x97xf32, #tpu.memory_space<vmem>>, vector<64x97xf32>
    %dot_general3A_52 = arith.constant dense<0.000000e+00> : vector<256x97xf32>
    %dot_general3A_53 = tpu.matmul %add3A_46, %get3A_51, %dot_general3A_52 {dimension_numbers = #tpu.dot_dimension_numbers<[1], [0], [0], [1], [0, 0, 1, 1], [], []>, transpose_lhs_hint = false} : vector<256x64xf32>, vector<64x97xf32>, vector<256x97xf32> -> vector<256x97xf32>
    %get3A_54 = arith.constant 0 : index
    %get3A_55 = arith.constant 0 : index
    %get3A_56 = vector.load %arg8[%get3A_54, %get3A_55] : memref<1x97xf32, #tpu.memory_space<vmem>>, vector<1x97xf32>
    %add3A_57 = vector.broadcast %get3A_56 : vector<1x97xf32> to vector<256x97xf32>
    %add3A_58 = arith.addf %dot_general3A_53, %add3A_57 : vector<256x97xf32>
    %swap3A_59 = arith.constant 0 : index
    %swap3A_60 = arith.constant 0 : index
    %swap3A_61 = vector.load %arg13[%swap3A_59, %swap3A_60] : memref<256x97xf32, #tpu.memory_space<vmem>>, vector<256x97xf32>
    tpu.vector_store %arg13[%swap3A_59, %swap3A_60], %add3A_58 {strides = array<i32>} : memref<256x97xf32, #tpu.memory_space<vmem>>, vector<256x97xf32>,
    %get3A_62 = arith.constant 0 : index
    %get3A_63 = arith.constant 0 : index
    %get3A_64 = vector.load %arg9[%get3A_62, %get3A_63] : memref<64x300xf32, #tpu.memory_space<vmem>>, vector<64x300xf32>
    %dot_general3A_65 = arith.constant dense<0.000000e+00> : vector<256x300xf32>
    %dot_general3A_66 = tpu.matmul %add3A_46, %get3A_64, %dot_general3A_65 {dimension_numbers = #tpu.dot_dimension_numbers<[1], [0], [0], [1], [0, 0, 1, 1], [], []>, transpose_lhs_hint = false} : vector<256x64xf32>, vector<64x300xf32>, vector<256x300xf32> -> vector<256x300xf32>
    %get3A_67 = arith.constant 0 : index
    %get3A_68 = arith.constant 0 : index
    %get3A_69 = vector.load %arg10[%get3A_67, %get3A_68] : memref<1x300xf32, #tpu.memory_space<vmem>>, vector<1x300xf32>
    %add3A_70 = vector.broadcast %get3A_69 : vector<1x300xf32> to vector<256x300xf32>
    %add3A_71 = arith.addf %dot_general3A_66, %add3A_70 : vector<256x300xf32>
    %swap3A_72 = arith.constant 0 : index
    %swap3A_73 = arith.constant 0 : index
    %swap3A_74 = vector.load %arg14[%swap3A_72, %swap3A_73] : memref<256x300xf32, #tpu.memory_space<vmem>>, vector<256x300xf32>
    tpu.vector_store %arg14[%swap3A_72, %swap3A_73], %add3A_71 {strides = array<i32>} : memref<256x300xf32, #tpu.memory_space<vmem>>, vector<256x300xf32>,
    return
  }
  func.func @transform_0(%arg0: i32) -> (i32, i32) {
    %c0_i32 = arith.constant 0 : i32
    %c0_i32_0 = arith.constant 0 : i32
    return %arg0, %c0_i32 : i32, i32
  }
  func.func @transform_1(%arg0: i32) -> (i32, i32) {
    %c0_i32 = arith.constant 0 : i32
    %c0_i32_0 = arith.constant 0 : i32
    return %arg0, %c0_i32 : i32, i32
  }
  func.func @transform_2(%arg0: i32) -> (i32, i32) {
    %c0_i32 = arith.constant 0 : i32
    %c0_i32_0 = arith.constant 0 : i32
    %c0_i32_1 = arith.constant 0 : i32
    return %c0_i32, %c0_i32_0 : i32, i32
  }
  func.func @transform_3(%arg0: i32) -> (i32, i32) {
    %c0_i32 = arith.constant 0 : i32
    %c0_i32_0 = arith.constant 0 : i32
    %c0_i32_1 = arith.constant 0 : i32
    return %c0_i32, %c0_i32_0 : i32, i32
  }
  func.func @transform_4(%arg0: i32) -> (i32, i32) {
    %c0_i32 = arith.constant 0 : i32
    %c0_i32_0 = arith.constant 0 : i32
    %c0_i32_1 = arith.constant 0 : i32
    return %c0_i32, %c0_i32_0 : i32, i32
  }
  func.func @transform_5(%arg0: i32) -> (i32, i32) {
    %c0_i32 = arith.constant 0 : i32
    %c0_i32_0 = arith.constant 0 : i32
    %c0_i32_1 = arith.constant 0 : i32
    return %c0_i32, %c0_i32_0 : i32, i32
  }
  func.func @transform_6(%arg0: i32) -> (i32, i32) {
    %c0_i32 = arith.constant 0 : i32
    %c0_i32_0 = arith.constant 0 : i32
    %c0_i32_1 = arith.constant 0 : i32
    return %c0_i32, %c0_i32_0 : i32, i32
  }
  func.func @transform_7(%arg0: i32) -> (i32, i32) {
    %c0_i32 = arith.constant 0 : i32
    %c0_i32_0 = arith.constant 0 : i32
    %c0_i32_1 = arith.constant 0 : i32
    return %c0_i32, %c0_i32_0 : i32, i32
  }
  func.func @transform_8(%arg0: i32) -> (i32, i32) {
    %c0_i32 = arith.constant 0 : i32
    %c0_i32_0 = arith.constant 0 : i32
    %c0_i32_1 = arith.constant 0 : i32
    return %c0_i32, %c0_i32_0 : i32, i32
  }
  func.func @transform_9(%arg0: i32) -> (i32, i32) {
    %c0_i32 = arith.constant 0 : i32
    %c0_i32_0 = arith.constant 0 : i32
    %c0_i32_1 = arith.constant 0 : i32
    return %c0_i32, %c0_i32_0 : i32, i32
  }
  func.func @transform_10(%arg0: i32) -> (i32, i32) {
    %c0_i32 = arith.constant 0 : i32
    %c0_i32_0 = arith.constant 0 : i32
    %c0_i32_1 = arith.constant 0 : i32
    return %c0_i32, %c0_i32_0 : i32, i32
  }
  func.func @transform_11(%arg0: i32) -> (i32, i32) {
    %c0_i32 = arith.constant 0 : i32
    %c0_i32_0 = arith.constant 0 : i32
    return %arg0, %c0_i32 : i32, i32
  }
  func.func @transform_12(%arg0: i32) -> (i32, i32) {
    %c0_i32 = arith.constant 0 : i32
    %c0_i32_0 = arith.constant 0 : i32
    return %arg0, %c0_i32 : i32, i32
  }
  func.func @transform_13(%arg0: i32) -> (i32, i32) {
    %c0_i32 = arith.constant 0 : i32
    %c0_i32_0 = arith.constant 0 : i32
    return %arg0, %c0_i32 : i32, i32
  }
}

</mosaic_0001>

<sc_bundles>
// kernel: kernel.6.cloned.1.call-start
scs
__scs_entry_jumppad:
0x0: {  	(pc) =	sbr.rel $0x88, $3  }
0x1: {  	(tag) =	ssettag $0x0;
	lr =	simm.s32 $0x1  }
0x2: {  	[smem:$0x3F94] =	sst lr;
	_ =	strace $0xD0000000  }
0x3: {  	_ = 	snop  }
0x4: {  	_ = 	snop  }
0x5: {  	_ = 	snop  }
0x6: {  	_ = 	snop  }
0x7: {  	_ = 	snop  }
__scs_overlays_trampoline_lowered:
0x8: {  	[smem:$0x3FA3] =	sst s0  }
0x9: {  	[smem:$0x3FA4] =	sst s1  }
0xa: {  	[smem:$0x3FA5] =	sst s2  }
0xb: {  	[smem:$0x3FA6] =	sst s3  }
0xc: {  	[smem:$0x3FA7] =	sst s4  }
0xd: {  	[smem:$0x3FA8] =	sst s5  }
0xe: {  	[smem:$0x3FA9] =	sst s6  }
0xf: {  	[smem:$0x3FAA] =	sst s7  }
0x10: {  	[smem:$0x3FAB] =	sst s8  }
0x11: {  	[smem:$0x3FAC] =	sst s9;
	s0 =	simm.s32 @!p0 $0x0  }
0x12: {  	s1 =	sld [smem:$0x3F92];
	s0 =	simm.s32 @p0 $0x1  }
0x13: {  	[smem:$0x3FAD] =	sst s0;
	s0 =	simm.s32 @!p1 $0x0  }
0x14: {  	s2 =	sld [smem:$0x3F91];
	s0 =	simm.s32 @p1 $0x1  }
0x15: {  	[smem:$0x3FAE] =	sst s0;
	s0 =	simm.s32 @!p2 $0x0  }
0x16: {  	s3 =	sld [smem:$0x3FDB];
	s0 =	simm.s32 @p2 $0x1  }
0x17: {  	s4 =	simm.s32 $0x1BF5;
	[smem:$0x3FB0] =	sst s0  }
0x18: {  	s0 =	sld [smem:$0x3F93];
	_ =	swait.ge [sflag:s4], $0x0  }
0x19: {  	s7 =	sld [smem:$0x3F94]  }
0x1a: {  	s8 =	sadd.s32 $0xFFFFE003, lr  }
0x1b: {  	s9 =	sadd.s32 $0xFFFFFEF7, lr;
	s5 =	simm.s32 $0xFFFFFFFF;
	p2 =	slt.u32 s8, $0xFFFFF086  }
0x1c: {  	p1 =	slt.u32 s9, $0xF7A;
	s5 =	simm.s32 @!p2 $0x0  }
0x1d: {  	s5 =	simm.s32 @p1 $0x1;
	p0 =	seq.s32 s7, s2  }
0x1e: {  	s7 =	smul.u32 @!p0 $0xF7A, s2;
	p2 =	seq.s32 @!p0 s5, $0x0  }
0x1f: {  	s9 =	smul.u32 $0xF7A, s1;
	s8 =	simm.s32 @!p0 $0x1BF5;
	p2 =	por !p2, p0  }
0x20: {  	[sflag:s8] =	ssyncset.s32 @!p0 $0xFFFFF086;
	s6 =	sadd.s32 @!p0 s3, s7;
	s7 =	simm.s32 @!p0 $0x108  }
0x21: {  	s3 =	sadd.s32 s3, s9;
	s6 =	sadd.s32 @!p0 $0x88, s6;
	s7 =	simm.s32 @p2 $0x1082  }
0x22: {  	[simem:s7], [sflag:s8] =	dma.local @!p0 [hbm:s6], $0xF7A  }
0x23: {  	s9 =	sor.u32 $0xD0000000, s2;
	s6 =	simm.s32 $0x108;
	_ =	swait.ge @!p0 [sflag:s8], $0x0  }
0x24: {  	s3 =	sadd.s32 $0x88, s3;
	s6 =	simm.s32 @!p1 $0x1082;
	[sflag:s4] =	ssyncset.s32 $0xFFFFF086  }
0x25: {  	[simem:s6], [sflag:s4] =	dma.local [hbm:s3], $0xF7A  }
0x26: {  	[smem:$0x3F94] =	sst s1;
	(tag) =	ssettag s2;
	_ =	strace s9  }
0x27: {  	s1 =	sld [smem:$0x3FA4]  }
0x28: {  	s2 =	sld [smem:$0x3FA5]  }
0x29: {  	s4 =	sld [smem:$0x3FA7]  }
0x2a: {  	p0 =	seq.s32 s5, $0x0;
	s5 =	sld [smem:$0x3FA8]  }
0x2b: {  	s6 =	sld [smem:$0x3FA9]  }
0x2c: {  	s7 =	sld [smem:$0x3FAA]  }
0x2d: {  	s3 =	simm.s32 $0x108;
	s8 =	sld [smem:$0x3FAB]  }
0x2e: {  	s3 =	simm.s32 @!p0 $0x1082;
	s9 =	sld [smem:$0x3FAC]  }
0x2f: {  	lr =	sadd.s32 s0, s3;
	s0 =	sld [smem:$0x3FA3]  }
0x30: {  	s3 =	sld [smem:$0x3FA6]  }
0x31: {  	[smem:$0x3FAF] =	sst s10  }
0x32: {  	s10 =	sld [smem:$0x3FAD];
	_ =	sdelay $0x3  }
0x33: {  	p0 =	seq.s32 s10, $0x1;
	s10 =	sld [smem:$0x3FAF];
	_ =	sdelay $0x3  }
0x34: {  	[smem:$0x3FAF] =	sst s10  }
0x35: {  	s10 =	sld [smem:$0x3FAE];
	_ =	sdelay $0x3  }
0x36: {  	p1 =	seq.s32 s10, $0x1;
	s10 =	sld [smem:$0x3FAF];
	_ =	sdelay $0x3  }
0x37: {  	[smem:$0x3FAF] =	sst s10  }
0x38: {  	s10 =	sld [smem:$0x3FB0]  }
0x39: {  	_ = 	snop;
	(pc) =	sbr.ind lr, $3  }
0x3a: {  	_ = 	snop  }
0x3b: {  	_ = 	snop  }
0x3c: {  	p2 =	seq.s32 s10, $0x1;
	s10 =	sld [smem:$0x3FAF]  }
0x3d: {  	_ =	shalt  }
0x3e: {  	_ =	shalt  }
0x3f: {  	_ =	shalt  }
0x40: {  	_ =	shalt  }
0x41: {  	_ =	shalt  }
0x42: {  	_ =	shalt  }
0x43: {  	_ =	shalt  }
0x44: {  	_ =	shalt  }
0x45: {  	_ =	shalt  }
0x46: {  	_ =	shalt  }
0x47: {  	_ =	shalt  }
0x48: {  	_ =	shalt  }
0x49: {  	_ =	shalt  }
0x4a: {  	_ =	shalt  }
0x4b: {  	_ =	shalt  }
0x4c: {  	_ =	shalt  }
0x4d: {  	_ =	shalt  }
0x4e: {  	_ =	shalt  }
0x4f: {  	_ =	shalt  }
0x50: {  	_ =	shalt  }
0x51: {  	_ =	shalt  }
0x52: {  	_ =	shalt  }
0x53: {  	_ =	shalt  }
0x54: {  	_ =	shalt  }
0x55: {  	_ =	shalt  }
0x56: {  	_ =	shalt  }
0x57: {  	_ =	shalt  }
0x58: {  	_ =	shalt  }
0x59: {  	_ =	shalt  }
0x5a: {  	_ =	shalt  }
0x5b: {  	_ =	shalt  }
0x5c: {  	_ =	shalt  }
0x5d: {  	_ =	shalt  }
0x5e: {  	_ =	shalt  }
0x5f: {  	_ =	shalt  }
0x60: {  	_ =	shalt  }
0x61: {  	_ =	shalt  }
0x62: {  	_ =	shalt  }
0x63: {  	_ =	shalt  }
0x64: {  	_ =	shalt  }
0x65: {  	_ =	shalt  }
0x66: {  	_ =	shalt  }
0x67: {  	_ =	shalt  }
0x68: {  	_ =	shalt  }
0x69: {  	_ =	shalt  }
0x6a: {  	_ =	shalt  }
0x6b: {  	_ =	shalt  }
0x6c: {  	_ =	shalt  }
0x6d: {  	_ =	shalt  }
0x6e: {  	_ =	shalt  }
0x6f: {  	_ =	shalt  }
0x70: {  	_ =	shalt  }
0x71: {  	_ =	shalt  }
0x72: {  	_ =	shalt  }
0x73: {  	_ =	shalt  }
0x74: {  	_ =	shalt  }
0x75: {  	_ =	shalt  }
0x76: {  	_ =	shalt  }
0x77: {  	_ =	shalt  }
0x78: {  	_ =	shalt  }
0x79: {  	_ =	shalt  }
0x7a: {  	_ =	shalt  }
0x7b: {  	_ =	shalt  }
0x7c: {  	_ =	shalt  }
0x7d: {  	_ =	shalt  }
0x7e: {  	_ =	shalt  }
0x7f: {  	_ =	shalt  }
0x80: {  	_ =	shalt  }
0x81: {  	_ =	shalt  }
0x82: {  	_ =	shalt  }
0x83: {  	_ =	shalt  }
0x84: {  	_ =	shalt  }
0x85: {  	_ =	shalt  }
0x86: {  	_ =	shalt  }
0x87: {  	_ =	shalt  }
.Lfunc_end0:
.L_simem_size_0:
called_computation_lowered:
.L_overlay_start_0:
0x88: {  	s2 =	sld [smem:$0x3FD9]  }
0x89: {  	s3 =	sld [smem:$0x3FFE];
	_ =	sdelay $0x1  }
0x8a: {  	s1 =	srdreg.scid  }
0x8b: {  	s0 =	sand.u32 $0x1, s1  }
0x8c: {  	s14 =	sshll.u32 s0, $0xA;
	s2 =	sadd.s32 s3, s2  }
0x8d: {  	s2 =	sadd.s32 s2, s14  }
0x8e: {  	[smem:$0x3FBB] =	sst s2  }
0x8f: {  	_ = 	snop  }
0x90: {  	s2 =	sld [smem:$0x3FD0];
	_ =	sdelay $0x2  }
0x91: {  	s15 =	simm.s32 $0xA;
	s4 =	simm.s32 $0x10  }
0x92: {  	[smem:s4], [sflag:s15] =	dma.local [hbm:s2], $0x1  }
0x93: {  	_ =	swait.eq [sflag:s15], $0x1  }
0x94: {  	[sflag:s15] =	ssyncset.done $0x0  }
0x95: {  	[sflag:s15] =	ssyncadd.s32 $0xFFFFFFFF  }
0x96: {  	s16 =	sld [smem:$0x10];
	(tm) =	ssettm $0x1  }
0x97: {  	s17 =	sld [smem:$0x3FFB];
	_ =	sdelay $0x3  }
0x98: {  	_ =	strace s17  }
0x99: {  	s3 =	sld [smem:$0x3FFC];
	_ =	sdelay $0x3  }
0x9a: {  	_ =	strace s3  }
0x9b: {  	s3 =	sld [smem:$0x3FFD];
	_ =	sdelay $0x3  }
0x9c: {  	_ =	strace s3  }
0x9d: {  	_ =	strace $0x8FFFFFFF  }
0x9e: {  	s18 =	sld [smem:$0x3FDB];
	_ =	sdelay $0x1  }
0x9f: {  	s19 =	simm.s32 $_scs_section_size  }
0xa0: {  	s5 =	simm.s32 $_size__tile_overlayer_lowered;
	s6 =	simm.s32 $_tile_overlayer_lowered  }
0xa1: {  	s22 =	simm.s32 $0x1BFF;
	s21 =	sshll.u32 s6, $0x1;
	s3 =	sadd.s32 s19, s18  }
0xa2: {  	s7 =	simm.s32 $0x0;
	s20 =	sshll.u32 s5, $0x1;
	s5 =	sadd.s32 s21, s3  }
0xa3: {  	[timem:s7], [sflag:s22] =	dma.local [hbm:s5], s20  }
0xa4: {  	_ =	swait.ge [sflag:s22], s20  }
0xa5: {  	s4 =	ssub.s32 $0x0, s20;
	[sflag:s22] =	ssyncset.done $0x0  }
0xa6: {  	[sflag:s22] =	ssyncadd.s32 s4;
	_ =	sdelay $0x1  }
0xa7: {  	s23 =	simm.s32 $0x1B8B  }
0xa8: {  	_ =	swait.ge [sflag:s23], $0x1  }
0xa9: {  	[sflag:s23] =	ssyncset.done $0x0  }
0xaa: {  	s25 =	simm.s32 $0x1B8E;
	s24 =	sld [smem:$0x3FFE];
	[sflag:s23] =	ssyncadd.s32 $0xFFFFFFFF  }
0xab: {  	s26 =	simm.s32 $execute0_lowered;
	[smem:$0x3FD2] =	sst s25  }
0xac: {  	s5 =	sshll.u32 s26, $0x1;
	_ =	strace $0x80000046;
	[dreg:$0x1] =	wrdreg $0xFFFFFFFF  }
0xad: {  	s28 =	simm.s32 $_size_execute0_lowered;
	s3 =	sadd.s32 s3, s5;
	[dreg:$0x0] =	wrdreg $0x0  }
0xae: {  	s5 =	sshll.u32 s28, $0x1;
	[dreg:$0x2] =	wrdreg s3  }
0xaf: {  	[dreg:$0x3] =	wrdreg s5  }
0xb0: {  	[dreg:$0x4] =	wrdreg $0xC0  }
0xb1: {  	_ =	task [dreg:s7], $0x5FFFF  }
0xb2: {  	[dreg:$0x1] =	wrdreg $0xFFFFFFFF  }
0xb3: {  	[dreg:$0x0] =	wrdreg $0x60  }
0xb4: {  	[dreg:$0x2] =	wrdreg s16  }
0xb5: {  	[dreg:$0x3] =	wrdreg s24  }
0xb6: {  	[dreg:$0x4] =	wrdreg $0x9  }
0xb7: {  	_ =	task.clear_ibuf [dreg:s7], $0x5FFFF;
	_ =	strace $0x90000046  }
0xb8: {  	s29 =	simm.s32 $0x9;
	_ =	strace $0x80000048  }
0xb9: {  	_ =	swait.ge [sflag:s29], $0x1  }
0xba: {  	[sflag:s29] =	ssyncadd.s32 $0xFFFFFFFF  }
0xbb: {  	_ =	strace $0x90000048  }
0xbc: {  	_ =	sfence  }
0xbd: {  	s30 =	sld [smem:$0x0];
	_ =	sdelay $0x2  }
0xbe: {  	s31 =	sshll.u32 s1, $0xD;
	s1 =	sshrl.u32 s1, $0x2  }
0xbf: {  	s3 =	sand.u32 $0x4000, s31;
	s1 =	sadd.s32 s1, s30  }
0xc0: {  	s0 =	sor.u32 s3, s0;
	s1 =	sshll.u32 s1, $0x11  }
0xc1: {  	s0 =	sor.u32 s1, s0  }
0xc2: {  	s0 =	sadd.s32 $0x8F2B, s0  }
0xc3: {  	[sflag:s0] =	ssyncadd.remote.s32 $0x1  }
0xc4: {  	_ =	sfence.sel $0xFFFF  }
0xc5: {  	[dreg:$0x0] =	wrdreg $0xFFFFFFFF;
	(pc) =	sbr.abs _section_cstart, $3  }
0xc6: {  	[dreg:$0x1] =	wrdreg $0xFFFFFFFF  }
0xc7: {  	_ =	task.clear_ibuf [dreg:s7], $0x2FFFF;
	_ =	strace $0x9FFFFFFF  }
0xc8: {  	(tm) =	ssettm $0x7FFFFFFF  }
0xc9: {  	_ =	shalt  }
tec
execute0_lowered:
.L_overlay_start_1:
0x0: {  	(tag) =	ssettag $0x1  }
0x1: {  	s1 =	srdreg.scid  }
0x2: {  	s0 =	stileid.u32;
	s3 =	rddreg [dreg:$0x0]  }
0x3: {  	s8 =	rddreg [dreg:$0x1];
	s6 =	sand.u32 $0x1, s1;
	s30 =	sshll.u32 s0, $0x1  }
0x4: {  	s2 =	simm.s32 $0x0;
	s1 =	rddreg [dreg:$0x2];
	s7 =	sor.u32 s6, s30  }
0x5: {  	[smem:$0x7FF] =	sst s2;
	s4 =	smul.u32 $0x50, s7  }
0x6: {  	s5 =	sadd.s32 $0x188600, s8;
	_ =	strace $0x80000047;
	s10 =	ssub.s32 $0x2, s6  }
0x7: {  	s6 =	simm.s32 $0x280;
	s4 =	sadd.s32 s3, s4;
	s3 =	simm.s32 $0x2  }
0x8: {  	[tilespmem:s2], [sflag:$0x2] =	stream.linear.gather [hbm4b:s4+s2], $0x280, $0x38;
	[tilespmem:$0xA280] =	vst v63  }
0x9: {  	s9 =	smul.u32 $0x1400, s7;
	s11 =	sshrl.u32 s10, $0x1;
	_ =	swait.ge [sflag:s3], $0x280  }
0xa: {  	s7 =	simm.s32 $0x1;
	s31 =	ssub.s32 s10, s11;
	[sflag:s3] =	ssyncset.done $0x0  }
0xb: {  	s8 =	sadd.s32 s9, s8;
	s9 =	smax.u32 s31, $0x1;
	[sflag:s3] =	ssyncadd.s32 $0xFFFFFD80  }
0xc: {  	[tilespmem:s6], [sflag:$0x1] =	stream.indirect.gather [hbm4b:s5+s6], $0x40, s2, s6, $0xb8;
	[tilespmem:$0xA280] =	vst v63  }
0xd: {  	p0 =	sne.s32 s9, $0x1;
	_ =	swait.ge [sflag:s7], $0xA000  }
.Ltmp0:
0xe: {  	[sflag:s7] =	ssyncset.done $0x0;
	(pc) =	sbr.rel @!p0 .LBB2_2-.Ltmp0, $4  }
0xf: {  	s8 =	sadd.s32 $0x1C00, s8;
	[sflag:s7] =	ssyncadd.s32 $0xFFFF6000  }
0x10: {  	[hbm4b:s8+s2] =	stream.linear.scatter [tilespmem:s6], [sflag:$0x2], $0xA000, $0x38;
	[tilespmem:$0xA280] =	vst v63  }
0x11: {  	_ =	swait.ge [sflag:s3], $0xA000  }
0x12: {  	s9 =	sadd.s32 $0xFFFFFFFF, s9;
	[sflag:s3] =	ssyncset.done $0x0  }
.LBB2_1:
0x13: {  	p0 =	sne.s32 s9, $0x1;
	s9 =	sadd.s32 $0xFFFFFFFF, s9;
	[sflag:s3] =	ssyncadd.s32 $0xFFFF6000  }
0x14: {  	[tilespmem:s2], [sflag:$0x2] =	stream.linear.gather [hbm4b:s4+s2], $0x280, $0x38;
	[tilespmem:$0xA280] =	vst v63  }
0x15: {  	_ =	swait.ge [sflag:s3], $0x280  }
0x16: {  	[sflag:s3] =	ssyncset.done $0x0  }
0x17: {  	[sflag:s3] =	ssyncadd.s32 $0xFFFFFD80  }
0x18: {  	[tilespmem:s6], [sflag:$0x1] =	stream.indirect.gather [hbm4b:s5+s6], $0x40, s2, s6, $0xb8;
	[tilespmem:$0xA280] =	vst v63  }
0x19: {  	_ =	swait.ge [sflag:s7], $0xA000  }
.Ltmp1:
0x1a: {  	[sflag:s7] =	ssyncset.done $0x0;
	(pc) =	sbr.rel @p0 .LBB2_1-.Ltmp1, $4  }
0x1b: {  	[sflag:s7] =	ssyncadd.s32 $0xFFFF6000  }
0x1c: {  	[hbm4b:s8+s2] =	stream.linear.scatter [tilespmem:s6], [sflag:$0x2], $0xA000, $0x38;
	[tilespmem:$0xA280] =	vst v63  }
0x1d: {  	_ =	swait.ge [sflag:s3], $0xA000  }
0x1e: {  	[sflag:s3] =	ssyncset.done $0x0  }
.LBB2_2:
0x1f: {  	[sflag:s3] =	ssyncadd.s32 $0xFFFF6000  }
0x20: {  	_ =	sfence.sel $0x180000  }
0x21: {  	[bflag:$0x0] =	sbarrier.arrive $0xFFFF  }
0x22: {  	p0 =	sne.s32 s0, $0x0;
	_ =	strace $0x90000047  }
0x23: {  	s0 =	sadd.s32 @!p0 $0x100000, s1;
	[bflag:$0x2] =	sbarrier.arrive $0xFFFF  }
0x24: {  	[sflag:s0] =	ssyncadd.tile.s32 @!p0 $0x1;
	_ =	shalt  }
.Lfunc_end2:
_tile_overlayer_lowered:
.L_overlay_start_2:
0x25: {  	(tag) =	ssettag $0x2  }
0x26: {  	s0 =	rddreg [dreg:$0x0];
	s2 =	stileid.u32  }
0x27: {  	s1 =	rddreg [dreg:$0x1];
	p0 =	sne.s32 s2, $0x0  }
0x28: {  	s3 =	rddreg [dreg:$0x2];
	[bflag:$0x3] =	sbarrier.arrive $0xFFFF;
	s2 =	simm.s32 @!p0 $0x1C02  }
0x29: {  	[timem:s3], [sflag:s2] =	dma.local @!p0 [hbm:s0], s1  }
0x2a: {  	s0 =	simm.s32 @!p0 $0x2  }
0x2b: {  	_ =	swait.ge @!p0 [sflag:s0], s1  }
0x2c: {  	s1 =	ssub.s32 @!p0 $0x0, s1;
	[sflag:s0] =	ssyncset.done @!p0 $0x0  }
0x2d: {  	[sflag:s0] =	ssyncadd.s32 @!p0 s1  }
0x2e: {  	[bflag:$0x3] =	sbarrier.arrive $0xFFFF  }
0x2f: {  	_ =	shalt  }

</sc_bundles>
